<compile_context>
chip_gen: v7x
topology: tpu7x:2x2x1
jax: 0.10.2.dev20260603
libtpu: 0.0.44.dev20260713+nightly
codegen_flags: <defaults>
</compile_context>

<pallas_src>
import functools

import jax
import jax.numpy as jnp
from jax import lax
from jax.experimental import pallas as pl
from jax.experimental.pallas import tpu as pltpu
from jax.experimental.pallas import tpu_sc as plsc

E = 320000
D = 128
N_CORES = 2
N_SUBCORES = 16
NW = N_CORES * N_SUBCORES
ROWS_PER_W = E // NW
CHUNK = 400
NCHUNK = ROWS_PER_W // CHUNK
LANES = 16
D0, D1, D2 = 5, 6, 2
NCOMB = D0 * D1 * D2


def _make_sc_kernel():
    mesh = plsc.VectorSubcoreMesh(core_axis_name="c", subcore_axis_name="s")

    @functools.partial(
        pl.kernel,
        mesh=mesh,
        out_type=jax.ShapeDtypeStruct((E * D,), jnp.float32),
        compiler_params=pltpu.CompilerParams(needs_layout_passes=False),
        scratch_types=[
            pltpu.VMEM((D0, D), jnp.float32),
            pltpu.VMEM((D1, D), jnp.float32),
            pltpu.VMEM((D2, D), jnp.float32),
            pltpu.VMEM((NCOMB * D,), jnp.float32),
            [pltpu.VMEM((CHUNK,), jnp.int32)] * 2,
            [pltpu.VMEM((CHUNK,), jnp.int32)] * 2,
            [pltpu.VMEM((CHUNK,), jnp.int32)] * 2,
            [pltpu.VMEM((CHUNK,), jnp.int32)] * 2,
            [pltpu.VMEM((CHUNK * D,), jnp.float32)] * 2,
            [pltpu.SemaphoreType.DMA] * 2,
            [pltpu.SemaphoreType.DMA] * 2,
        ],
    )
    def k(ea_hbm, w0_hbm, w1_hbm, w2_hbm, out_hbm,
          w0_v, w1_v, w2_v, t_v, a0_s, a1_s, a2_s, c_s, out_s,
          sem_in, sem_out):
        wid = lax.axis_index("s") * N_CORES + lax.axis_index("c")
        base = wid * ROWS_PER_W
        col_iota = lax.iota(jnp.int32, LANES)

        def fire_in(a, b):
            off = base + a * CHUNK
            pltpu.async_copy(ea_hbm.at[pl.ds(off, CHUNK)], a0_s[b], sem_in[b])
            pltpu.async_copy(ea_hbm.at[pl.ds(E + off, CHUNK)], a1_s[b],
                             sem_in[b])
            pltpu.async_copy(ea_hbm.at[pl.ds(2 * E + off, CHUNK)], a2_s[b],
                             sem_in[b])

        def wait_in(b):
            for dst in (a0_s[b], a1_s[b], a2_s[b]):
                pltpu.make_async_copy(ea_hbm.at[pl.ds(0, CHUNK)], dst,
                                      sem_in[b]).wait()

        def wait_out(b):
            pltpu.make_async_copy(out_s[b],
                                  out_hbm.at[pl.ds(0, CHUNK * D)],
                                  sem_out[b]).wait()

        fire_in(0, 0)
        fire_in(1, 1)

        pltpu.sync_copy(w0_hbm, w0_v)
        pltpu.sync_copy(w1_hbm, w1_v)
        pltpu.sync_copy(w2_hbm, w2_v)

        def build_row(c, carry):
            i0 = c // (D1 * D2)
            r = c % (D1 * D2)
            i1 = r // D2
            i2 = r % D2
            cbase = c * D
            for j in range(D // LANES):
                sl = pl.ds(j * LANES, LANES)
                vals = w0_v[i0, sl] + w1_v[i1, sl] + w2_v[i2, sl]
                plsc.store_scatter(
                    t_v, [col_iota + (cbase + j * LANES)], vals)
            return carry

        lax.fori_loop(0, NCOMB, build_row, 0)

        def do_chunk(a, b):
            wait_in(b)

            def cidx_body(i, carry2):
                sl = pl.ds(i * LANES, LANES)
                c_s[b][sl] = (a0_s[b][sl] * (D1 * D2) + a1_s[b][sl] * D2
                              + a2_s[b][sl]) * D
                return carry2

            lax.fori_loop(0, CHUNK // LANES, cidx_body, 0)

            @pl.when(a + 2 < NCHUNK)
            def _():
                fire_in(a + 2, b)

            @pl.when(a >= 2)
            def _():
                wait_out(b)

            @plsc.parallel_loop(0, CHUNK, unroll=2)
            def _(r):
                csp = plsc.load_gather(c_s[b], [jnp.full((LANES,), r,
                                                         jnp.int32)])
                addr16 = csp + col_iota
                rbase = r * D
                for j in range(D // LANES):
                    vals = plsc.load_gather(t_v, [addr16 + (j * LANES)])
                    out_s[b][pl.ds(rbase + j * LANES, LANES)] = vals

            off = base + a * CHUNK
            pltpu.async_copy(out_s[b], out_hbm.at[pl.ds(off * D, CHUNK * D)],
                             sem_out[b])

        def pair_body(h, carry):
            do_chunk(2 * h, 0)
            do_chunk(2 * h + 1, 1)
            return carry

        lax.fori_loop(0, (NCHUNK - 1) // 2, pair_body, 0)
        do_chunk(NCHUNK - 1, (NCHUNK - 1) % 2)
        wait_out(0)
        wait_out(1)

    return k


_sc_bond_encoder = _make_sc_kernel()


@jax.jit
def kernel(edge_attr, W0, W1, W2):
    ea_t = edge_attr.T.reshape(3 * E)
    return _sc_bond_encoder(ea_t, W0, W1, W2).reshape(E, D)

# --- scband reference (transcript-rebuilt; emitter-appended) ---
"""Pipeline reference for scband-bond-encoder-59081570124116 (READ-ONLY COPY).

The authoritative reference and input builder live on the scoring server;
editing this copy changes nothing except your own understanding.
"""

import jax, jax.numpy as jnp
import numpy as np

E = 320000
EMB_DIM = 128
BOND_DIMS = [5, 6, 2]

def _xavier_uniform(key, shape):
    fan_in, fan_out = shape[0], shape[1]
    limit = float(np.sqrt(6.0 / (fan_in + fan_out)))
    return jax.random.uniform(key, shape, dtype=jnp.float32, minval=-limit, maxval=limit)

def setup_inputs(seed: int = 0) -> dict:
    key = jax.random.key(seed)
    k_idx, k0, k1, k2 = jax.random.split(key, 4)
    # fill=randint with fill_max=2 guarantees indices are in-range for all three tables (dims 5, 6, 2)
    edge_attr = jax.random.randint(k_idx, (E, 3), 0, 2, dtype=jnp.int32)
    W0 = _xavier_uniform(k0, (BOND_DIMS[0], EMB_DIM))
    W1 = _xavier_uniform(k1, (BOND_DIMS[1], EMB_DIM))
    W2 = _xavier_uniform(k2, (BOND_DIMS[2], EMB_DIM))
    return {"edge_attr": edge_attr, "W0": W0, "W1": W1, "W2": W2}

def reference(edge_attr, W0, W1, W2):
    # Faithful translation of BondEncoder.forward: sum of per-feature embedding lookups
    bond_embedding = jnp.take(W0, edge_attr[:, 0], axis=0)
    bond_embedding = bond_embedding + jnp.take(W1, edge_attr[:, 1], axis=0)
    bond_embedding = bond_embedding + jnp.take(W2, edge_attr[:, 2], axis=0)
    return bond_embedding

if __name__ == "__main__":
    import jax
    _d = setup_inputs()
    print(jax.jit(kernel)(*tuple(_d.values())))

</pallas_src>

<mosaic_0001>
#map = affine_map<(d0, d1) -> (0)>
#map1 = affine_map<(d0, d1) -> (0, 0)>
module attributes {stable_mosaic.version = 14 : i64} {
  func.func @k(%arg0: i32, %arg1: i32, %arg2: memref<960000xi32, #tpu.memory_space<hbm>>, %arg3: memref<5x128xf32, #tpu.memory_space<hbm>>, %arg4: memref<6x128xf32, #tpu.memory_space<hbm>>, %arg5: memref<2x128xf32, #tpu.memory_space<hbm>>, %arg6: memref<40960000xf32, #tpu.memory_space<hbm>>, %arg7: memref<5x128xf32, #tpu.memory_space<vmem>>, %arg8: memref<6x128xf32, #tpu.memory_space<vmem>>, %arg9: memref<2x128xf32, #tpu.memory_space<vmem>>, %arg10: memref<7680xf32, #tpu.memory_space<vmem>>, %arg11: memref<400xi32, #tpu.memory_space<vmem>>, %arg12: memref<400xi32, #tpu.memory_space<vmem>>, %arg13: memref<400xi32, #tpu.memory_space<vmem>>, %arg14: memref<400xi32, #tpu.memory_space<vmem>>, %arg15: memref<400xi32, #tpu.memory_space<vmem>>, %arg16: memref<400xi32, #tpu.memory_space<vmem>>, %arg17: memref<400xi32, #tpu.memory_space<vmem>>, %arg18: memref<400xi32, #tpu.memory_space<vmem>>, %arg19: memref<51200xf32, #tpu.memory_space<vmem>>, %arg20: memref<51200xf32, #tpu.memory_space<vmem>>, %arg21: memref<!tpu.dma_semaphore, #tpu.memory_space<semaphore_mem>>, %arg22: memref<!tpu.dma_semaphore, #tpu.memory_space<semaphore_mem>>, %arg23: memref<!tpu.dma_semaphore, #tpu.memory_space<semaphore_mem>>, %arg24: memref<!tpu.dma_semaphore, #tpu.memory_space<semaphore_mem>>) attributes {dimension_semantics = [#tpu.dimension_semantics<core_parallel>, #tpu.dimension_semantics<subcore_parallel>], iteration_bounds = array<i64: 2, 16>, scalar_prefetch = 0 : i64, scratch_operands = 18 : i64, tpu.core_type = #tpu.core_type<sc_vector_subcore>, window_params = [{transform_indices = #map}, {transform_indices = #map1}, {transform_indices = #map1}, {transform_indices = #map1}, {transform_indices = #map}]} {
    %mul3A = arith.constant 2 : i32
    %mul3A_0 = arith.muli %arg1, %mul3A : i32
    %add3A = arith.addi %mul3A_0, %arg0 : i32
    %mul3A_1 = arith.constant 10000 : i32
    %mul3A_2 = arith.muli %add3A, %mul3A_1 : i32
    %iota3A = tpu.iota {dimensions = array<i32: 0>} : vector<16xi32>
    %add3A_3 = arith.constant 0 : i32
    %add3A_4 = arith.addi %mul3A_2, %add3A_3 : i32
    %dma_start3A = tpu.memref_slice %arg2[%add3A_4] : memref<960000xi32, #tpu.memory_space<hbm>> -> memref<400xi32, #tpu.memory_space<hbm>>
    %dma_start3A_5 = tpu.memref_slice %arg2[%add3A_4] : memref<960000xi32, #tpu.memory_space<hbm>> -> memref<400xi32, #tpu.memory_space<hbm>>
    tpu.enqueue_dma source(%dma_start3A_5 : memref<400xi32, #tpu.memory_space<hbm>>) target(%arg11 : memref<400xi32, #tpu.memory_space<vmem>>) target_semaphore(%arg21 : memref<!tpu.dma_semaphore, #tpu.memory_space<semaphore_mem>>)
    %add3A_6 = arith.constant 320000 : i32
    %add3A_7 = arith.addi %add3A_6, %add3A_4 : i32
    %dma_start3A_8 = tpu.memref_slice %arg2[%add3A_7] : memref<960000xi32, #tpu.memory_space<hbm>> -> memref<400xi32, #tpu.memory_space<hbm>>
    %dma_start3A_9 = tpu.memref_slice %arg2[%add3A_7] : memref<960000xi32, #tpu.memory_space<hbm>> -> memref<400xi32, #tpu.memory_space<hbm>>
    tpu.enqueue_dma source(%dma_start3A_9 : memref<400xi32, #tpu.memory_space<hbm>>) target(%arg13 : memref<400xi32, #tpu.memory_space<vmem>>) target_semaphore(%arg21 : memref<!tpu.dma_semaphore, #tpu.memory_space<semaphore_mem>>)
    %add3A_10 = arith.constant 640000 : i32
    %add3A_11 = arith.addi %add3A_10, %add3A_4 : i32
    %dma_start3A_12 = tpu.memref_slice %arg2[%add3A_11] : memref<960000xi32, #tpu.memory_space<hbm>> -> memref<400xi32, #tpu.memory_space<hbm>>
    %dma_start3A_13 = tpu.memref_slice %arg2[%add3A_11] : memref<960000xi32, #tpu.memory_space<hbm>> -> memref<400xi32, #tpu.memory_space<hbm>>
    tpu.enqueue_dma source(%dma_start3A_13 : memref<400xi32, #tpu.memory_space<hbm>>) target(%arg15 : memref<400xi32, #tpu.memory_space<vmem>>) target_semaphore(%arg21 : memref<!tpu.dma_semaphore, #tpu.memory_space<semaphore_mem>>)
    %add3A_14 = arith.constant 400 : i32
    %add3A_15 = arith.addi %mul3A_2, %add3A_14 : i32
    %dma_start3A_16 = tpu.memref_slice %arg2[%add3A_15] : memref<960000xi32, #tpu.memory_space<hbm>> -> memref<400xi32, #tpu.memory_space<hbm>>
    %dma_start3A_17 = tpu.memref_slice %arg2[%add3A_15] : memref<960000xi32, #tpu.memory_space<hbm>> -> memref<400xi32, #tpu.memory_space<hbm>>
    tpu.enqueue_dma source(%dma_start3A_17 : memref<400xi32, #tpu.memory_space<hbm>>) target(%arg12 : memref<400xi32, #tpu.memory_space<vmem>>) target_semaphore(%arg22 : memref<!tpu.dma_semaphore, #tpu.memory_space<semaphore_mem>>)
    %add3A_18 = arith.constant 320000 : i32
    %add3A_19 = arith.addi %add3A_18, %add3A_15 : i32
    %dma_start3A_20 = tpu.memref_slice %arg2[%add3A_19] : memref<960000xi32, #tpu.memory_space<hbm>> -> memref<400xi32, #tpu.memory_space<hbm>>
    %dma_start3A_21 = tpu.memref_slice %arg2[%add3A_19] : memref<960000xi32, #tpu.memory_space<hbm>> -> memref<400xi32, #tpu.memory_space<hbm>>
    tpu.enqueue_dma source(%dma_start3A_21 : memref<400xi32, #tpu.memory_space<hbm>>) target(%arg14 : memref<400xi32, #tpu.memory_space<vmem>>) target_semaphore(%arg22 : memref<!tpu.dma_semaphore, #tpu.memory_space<semaphore_mem>>)
    %add3A_22 = arith.constant 640000 : i32
    %add3A_23 = arith.addi %add3A_22, %add3A_15 : i32
    %dma_start3A_24 = tpu.memref_slice %arg2[%add3A_23] : memref<960000xi32, #tpu.memory_space<hbm>> -> memref<400xi32, #tpu.memory_space<hbm>>
    %dma_start3A_25 = tpu.memref_slice %arg2[%add3A_23] : memref<960000xi32, #tpu.memory_space<hbm>> -> memref<400xi32, #tpu.memory_space<hbm>>
    tpu.enqueue_dma source(%dma_start3A_25 : memref<400xi32, #tpu.memory_space<hbm>>) target(%arg16 : memref<400xi32, #tpu.memory_space<vmem>>) target_semaphore(%arg22 : memref<!tpu.dma_semaphore, #tpu.memory_space<semaphore_mem>>)
    "tpu.region"() ({
      %run_scoped3A = tpu.sem_alloc : memref<!tpu.dma_semaphore, #tpu.memory_space<semaphore_mem>>
      tpu.enqueue_dma source(%arg3 : memref<5x128xf32, #tpu.memory_space<hbm>>) target(%arg7 : memref<5x128xf32, #tpu.memory_space<vmem>>) target_semaphore(%run_scoped3A : memref<!tpu.dma_semaphore, #tpu.memory_space<semaphore_mem>>)
      tpu.wait_dma2 semaphore(%run_scoped3A : memref<!tpu.dma_semaphore, #tpu.memory_space<semaphore_mem>>) src(%arg3 : memref<5x128xf32, #tpu.memory_space<hbm>>) dst(%arg7 : memref<5x128xf32, #tpu.memory_space<vmem>>)
      tpu.yield
    }) : () -> ()
    "tpu.region"() ({
      %run_scoped3A = tpu.sem_alloc : memref<!tpu.dma_semaphore, #tpu.memory_space<semaphore_mem>>
      tpu.enqueue_dma source(%arg4 : memref<6x128xf32, #tpu.memory_space<hbm>>) target(%arg8 : memref<6x128xf32, #tpu.memory_space<vmem>>) target_semaphore(%run_scoped3A : memref<!tpu.dma_semaphore, #tpu.memory_space<semaphore_mem>>)
      tpu.wait_dma2 semaphore(%run_scoped3A : memref<!tpu.dma_semaphore, #tpu.memory_space<semaphore_mem>>) src(%arg4 : memref<6x128xf32, #tpu.memory_space<hbm>>) dst(%arg8 : memref<6x128xf32, #tpu.memory_space<vmem>>)
      tpu.yield
    }) : () -> ()
    "tpu.region"() ({
      %run_scoped3A = tpu.sem_alloc : memref<!tpu.dma_semaphore, #tpu.memory_space<semaphore_mem>>
      tpu.enqueue_dma source(%arg5 : memref<2x128xf32, #tpu.memory_space<hbm>>) target(%arg9 : memref<2x128xf32, #tpu.memory_space<vmem>>) target_semaphore(%run_scoped3A : memref<!tpu.dma_semaphore, #tpu.memory_space<semaphore_mem>>)
      tpu.wait_dma2 semaphore(%run_scoped3A : memref<!tpu.dma_semaphore, #tpu.memory_space<semaphore_mem>>) src(%arg5 : memref<2x128xf32, #tpu.memory_space<hbm>>) dst(%arg9 : memref<2x128xf32, #tpu.memory_space<vmem>>)
      tpu.yield
    }) : () -> ()
    %scan3A = arith.constant 0 : i32
    %scan3A_26 = arith.constant 0 : i32
    %scan3A_27 = arith.constant 60 : i32
    %scan3A_28 = arith.addi %scan3A_26, %scan3A_27 : i32
    %scan3A_29 = arith.constant 1 : i32
    scf.for %scan3A_74 = %scan3A_26 to %scan3A_28 step %scan3A_29  : i32 {
      %jit3A = arith.constant 12 : i32
      %div3A = arith.divsi %scan3A_74, %jit3A : i32
      %sign3A = arith.constant 0 : i32
      %sign3A_75 = arith.cmpi sgt, %scan3A_74, %sign3A : i32
      %sign3A_76 = arith.extui %sign3A_75 : i1 to i32
      %sign3A_77 = arith.constant 0 : i32
      %sign3A_78 = arith.cmpi slt, %scan3A_74, %sign3A_77 : i32
      %sign3A_79 = arith.extui %sign3A_78 : i1 to i32
      %sign3A_80 = arith.subi %sign3A_76, %sign3A_79 : i32
      %sign3A_81 = arith.constant 0 : i32
      %sign3A_82 = arith.cmpi sgt, %jit3A, %sign3A_81 : i32
      %sign3A_83 = arith.extui %sign3A_82 : i1 to i32
      %sign3A_84 = arith.constant 0 : i32
      %sign3A_85 = arith.cmpi slt, %jit3A, %sign3A_84 : i32
      %sign3A_86 = arith.extui %sign3A_85 : i1 to i32
      %sign3A_87 = arith.subi %sign3A_83, %sign3A_86 : i32
      %ne3A = arith.cmpi ne, %sign3A_80, %sign3A_87 : i32
      %rem3A = arith.remsi %scan3A_74, %jit3A : i32
      %ne3A_88 = arith.constant 0 : i32
      %ne3A_89 = arith.cmpi ne, %rem3A, %ne3A_88 : i32
      %and3A = arith.andi %ne3A, %ne3A_89 : i1
      %sub3A = arith.constant 1 : i32
      %sub3A_90 = arith.subi %div3A, %sub3A : i32
      %select_n3A = arith.select %and3A, %sub3A_90, %div3A : i32
      %jit3A_91 = arith.constant 12 : i32
      %eq3A = arith.constant 0 : i32
      %eq3A_92 = arith.cmpi eq, %jit3A_91, %eq3A : i32
      %jit3A_93 = arith.constant 1 : i32
      %select_n3A_94 = arith.select %eq3A_92, %jit3A_93, %jit3A_91 : i32
      %rem3A_95 = arith.remsi %scan3A_74, %select_n3A_94 : i32
      %ne3A_96 = arith.constant 0 : i32
      %ne3A_97 = arith.cmpi ne, %rem3A_95, %ne3A_96 : i32
      %lt3A = arith.constant 0 : i32
      %lt3A_98 = arith.cmpi slt, %rem3A_95, %lt3A : i32
      %lt3A_99 = arith.constant 0 : i32
      %lt3A_100 = arith.cmpi slt, %select_n3A_94, %lt3A_99 : i32
      %ne3A_101 = arith.xori %lt3A_98, %lt3A_100 : i1
      %and3A_102 = arith.andi %ne3A_101, %ne3A_97 : i1
      %add3A_103 = arith.addi %rem3A_95, %select_n3A_94 : i32
      %select_n3A_104 = arith.select %and3A_102, %add3A_103, %rem3A_95 : i32
      %jit3A_105 = arith.constant 2 : i32
      %div3A_106 = arith.divsi %select_n3A_104, %jit3A_105 : i32
      %sign3A_107 = arith.constant 0 : i32
      %sign3A_108 = arith.cmpi sgt, %select_n3A_104, %sign3A_107 : i32
      %sign3A_109 = arith.extui %sign3A_108 : i1 to i32
      %sign3A_110 = arith.constant 0 : i32
      %sign3A_111 = arith.cmpi slt, %select_n3A_104, %sign3A_110 : i32
      %sign3A_112 = arith.extui %sign3A_111 : i1 to i32
      %sign3A_113 = arith.subi %sign3A_109, %sign3A_112 : i32
      %sign3A_114 = arith.constant 0 : i32
      %sign3A_115 = arith.cmpi sgt, %jit3A_105, %sign3A_114 : i32
      %sign3A_116 = arith.extui %sign3A_115 : i1 to i32
      %sign3A_117 = arith.constant 0 : i32
      %sign3A_118 = arith.cmpi slt, %jit3A_105, %sign3A_117 : i32
      %sign3A_119 = arith.extui %sign3A_118 : i1 to i32
      %sign3A_120 = arith.subi %sign3A_116, %sign3A_119 : i32
      %ne3A_121 = arith.cmpi ne, %sign3A_113, %sign3A_120 : i32
      %rem3A_122 = arith.remsi %select_n3A_104, %jit3A_105 : i32
      %ne3A_123 = arith.constant 0 : i32
      %ne3A_124 = arith.cmpi ne, %rem3A_122, %ne3A_123 : i32
      %and3A_125 = arith.andi %ne3A_121, %ne3A_124 : i1
      %sub3A_126 = arith.constant 1 : i32
      %sub3A_127 = arith.subi %div3A_106, %sub3A_126 : i32
      %select_n3A_128 = arith.select %and3A_125, %sub3A_127, %div3A_106 : i32
      %jit3A_129 = arith.constant 2 : i32
      %eq3A_130 = arith.constant 0 : i32
      %eq3A_131 = arith.cmpi eq, %jit3A_129, %eq3A_130 : i32
      %jit3A_132 = arith.constant 1 : i32
      %select_n3A_133 = arith.select %eq3A_131, %jit3A_132, %jit3A_129 : i32
      %rem3A_134 = arith.remsi %select_n3A_104, %select_n3A_133 : i32
      %ne3A_135 = arith.constant 0 : i32
      %ne3A_136 = arith.cmpi ne, %rem3A_134, %ne3A_135 : i32
      %lt3A_137 = arith.constant 0 : i32
      %lt3A_138 = arith.cmpi slt, %rem3A_134, %lt3A_137 : i32
      %lt3A_139 = arith.constant 0 : i32
      %lt3A_140 = arith.cmpi slt, %select_n3A_133, %lt3A_139 : i32
      %ne3A_141 = arith.xori %lt3A_138, %lt3A_140 : i1
      %and3A_142 = arith.andi %ne3A_141, %ne3A_136 : i1
      %add3A_143 = arith.addi %rem3A_134, %select_n3A_133 : i32
      %select_n3A_144 = arith.select %and3A_142, %add3A_143, %rem3A_134 : i32
      %mul3A_145 = arith.constant 128 : i32
      %mul3A_146 = arith.muli %scan3A_74, %mul3A_145 : i32
      %get3A = arith.index_cast %select_n3A : i32 to index
      %get3A_147 = arith.constant 0 : index
      %get3A_148 = tpu.vector_load %arg7[%get3A, %get3A_147] {strides = array<i32>} : memref<5x128xf32, #tpu.memory_space<vmem>>, vector<16xf32>,
      %get3A_149 = arith.index_cast %select_n3A_128 : i32 to index
      %get3A_150 = arith.constant 0 : index
      %get3A_151 = tpu.vector_load %arg8[%get3A_149, %get3A_150] {strides = array<i32>} : memref<6x128xf32, #tpu.memory_space<vmem>>, vector<16xf32>,
      %add3A_152 = arith.addf %get3A_148, %get3A_151 : vector<16xf32>
      %get3A_153 = arith.index_cast %select_n3A_144 : i32 to index
      %get3A_154 = arith.constant 0 : index
      %get3A_155 = tpu.vector_load %arg9[%get3A_153, %get3A_154] {strides = array<i32>} : memref<2x128xf32, #tpu.memory_space<vmem>>, vector<16xf32>,
      %add3A_156 = arith.addf %add3A_152, %get3A_155 : vector<16xf32>
      %add3A_157 = arith.constant 0 : i32
      %add3A_158 = arith.addi %mul3A_146, %add3A_157 : i32
      %add3A_159 = vector.broadcast %add3A_158 : i32 to vector<16xi32>
      %add3A_160 = arith.addi %iota3A, %add3A_159 : vector<16xi32>
      tpu.vector_store_idx %arg10[%add3A_160], %add3A_156 : memref<7680xf32, #tpu.memory_space<vmem>>[vector<16xi32>], vector<16xf32>,
      %get3A_161 = arith.index_cast %select_n3A : i32 to index
      %get3A_162 = arith.constant 16 : index
      %get3A_163 = tpu.vector_load %arg7[%get3A_161, %get3A_162] {strides = array<i32>} : memref<5x128xf32, #tpu.memory_space<vmem>>, vector<16xf32>,
      %get3A_164 = arith.index_cast %select_n3A_128 : i32 to index
      %get3A_165 = arith.constant 16 : index
      %get3A_166 = tpu.vector_load %arg8[%get3A_164, %get3A_165] {strides = array<i32>} : memref<6x128xf32, #tpu.memory_space<vmem>>, vector<16xf32>,
      %add3A_167 = arith.addf %get3A_163, %get3A_166 : vector<16xf32>
      %get3A_168 = arith.index_cast %select_n3A_144 : i32 to index
      %get3A_169 = arith.constant 16 : index
      %get3A_170 = tpu.vector_load %arg9[%get3A_168, %get3A_169] {strides = array<i32>} : memref<2x128xf32, #tpu.memory_space<vmem>>, vector<16xf32>,
      %add3A_171 = arith.addf %add3A_167, %get3A_170 : vector<16xf32>
      %add3A_172 = arith.constant 16 : i32
      %add3A_173 = arith.addi %mul3A_146, %add3A_172 : i32
      %add3A_174 = vector.broadcast %add3A_173 : i32 to vector<16xi32>
      %add3A_175 = arith.addi %iota3A, %add3A_174 : vector<16xi32>
      tpu.vector_store_idx %arg10[%add3A_175], %add3A_171 : memref<7680xf32, #tpu.memory_space<vmem>>[vector<16xi32>], vector<16xf32>,
      %get3A_176 = arith.index_cast %select_n3A : i32 to index
      %get3A_177 = arith.constant 32 : index
      %get3A_178 = tpu.vector_load %arg7[%get3A_176, %get3A_177] {strides = array<i32>} : memref<5x128xf32, #tpu.memory_space<vmem>>, vector<16xf32>,
      %get3A_179 = arith.index_cast %select_n3A_128 : i32 to index
      %get3A_180 = arith.constant 32 : index
      %get3A_181 = tpu.vector_load %arg8[%get3A_179, %get3A_180] {strides = array<i32>} : memref<6x128xf32, #tpu.memory_space<vmem>>, vector<16xf32>,
      %add3A_182 = arith.addf %get3A_178, %get3A_181 : vector<16xf32>
      %get3A_183 = arith.index_cast %select_n3A_144 : i32 to index
      %get3A_184 = arith.constant 32 : index
      %get3A_185 = tpu.vector_load %arg9[%get3A_183, %get3A_184] {strides = array<i32>} : memref<2x128xf32, #tpu.memory_space<vmem>>, vector<16xf32>,
      %add3A_186 = arith.addf %add3A_182, %get3A_185 : vector<16xf32>
      %add3A_187 = arith.constant 32 : i32
      %add3A_188 = arith.addi %mul3A_146, %add3A_187 : i32
      %add3A_189 = vector.broadcast %add3A_188 : i32 to vector<16xi32>
      %add3A_190 = arith.addi %iota3A, %add3A_189 : vector<16xi32>
      tpu.vector_store_idx %arg10[%add3A_190], %add3A_186 : memref<7680xf32, #tpu.memory_space<vmem>>[vector<16xi32>], vector<16xf32>,
      %get3A_191 = arith.index_cast %select_n3A : i32 to index
      %get3A_192 = arith.constant 48 : index
      %get3A_193 = tpu.vector_load %arg7[%get3A_191, %get3A_192] {strides = array<i32>} : memref<5x128xf32, #tpu.memory_space<vmem>>, vector<16xf32>,
      %get3A_194 = arith.index_cast %select_n3A_128 : i32 to index
      %get3A_195 = arith.constant 48 : index
      %get3A_196 = tpu.vector_load %arg8[%get3A_194, %get3A_195] {strides = array<i32>} : memref<6x128xf32, #tpu.memory_space<vmem>>, vector<16xf32>,
      %add3A_197 = arith.addf %get3A_193, %get3A_196 : vector<16xf32>
      %get3A_198 = arith.index_cast %select_n3A_144 : i32 to index
      %get3A_199 = arith.constant 48 : index
      %get3A_200 = tpu.vector_load %arg9[%get3A_198, %get3A_199] {strides = array<i32>} : memref<2x128xf32, #tpu.memory_space<vmem>>, vector<16xf32>,
      %add3A_201 = arith.addf %add3A_197, %get3A_200 : vector<16xf32>
      %add3A_202 = arith.constant 48 : i32
      %add3A_203 = arith.addi %mul3A_146, %add3A_202 : i32
      %add3A_204 = vector.broadcast %add3A_203 : i32 to vector<16xi32>
      %add3A_205 = arith.addi %iota3A, %add3A_204 : vector<16xi32>
      tpu.vector_store_idx %arg10[%add3A_205], %add3A_201 : memref<7680xf32, #tpu.memory_space<vmem>>[vector<16xi32>], vector<16xf32>,
      %get3A_206 = arith.index_cast %select_n3A : i32 to index
      %get3A_207 = arith.constant 64 : index
      %get3A_208 = tpu.vector_load %arg7[%get3A_206, %get3A_207] {strides = array<i32>} : memref<5x128xf32, #tpu.memory_space<vmem>>, vector<16xf32>,
      %get3A_209 = arith.index_cast %select_n3A_128 : i32 to index
      %get3A_210 = arith.constant 64 : index
      %get3A_211 = tpu.vector_load %arg8[%get3A_209, %get3A_210] {strides = array<i32>} : memref<6x128xf32, #tpu.memory_space<vmem>>, vector<16xf32>,
      %add3A_212 = arith.addf %get3A_208, %get3A_211 : vector<16xf32>
      %get3A_213 = arith.index_cast %select_n3A_144 : i32 to index
      %get3A_214 = arith.constant 64 : index
      %get3A_215 = tpu.vector_load %arg9[%get3A_213, %get3A_214] {strides = array<i32>} : memref<2x128xf32, #tpu.memory_space<vmem>>, vector<16xf32>,
      %add3A_216 = arith.addf %add3A_212, %get3A_215 : vector<16xf32>
      %add3A_217 = arith.constant 64 : i32
      %add3A_218 = arith.addi %mul3A_146, %add3A_217 : i32
      %add3A_219 = vector.broadcast %add3A_218 : i32 to vector<16xi32>
      %add3A_220 = arith.addi %iota3A, %add3A_219 : vector<16xi32>
      tpu.vector_store_idx %arg10[%add3A_220], %add3A_216 : memref<7680xf32, #tpu.memory_space<vmem>>[vector<16xi32>], vector<16xf32>,
      %get3A_221 = arith.index_cast %select_n3A : i32 to index
      %get3A_222 = arith.constant 80 : index
      %get3A_223 = tpu.vector_load %arg7[%get3A_221, %get3A_222] {strides = array<i32>} : memref<5x128xf32, #tpu.memory_space<vmem>>, vector<16xf32>,
      %get3A_224 = arith.index_cast %select_n3A_128 : i32 to index
      %get3A_225 = arith.constant 80 : index
      %get3A_226 = tpu.vector_load %arg8[%get3A_224, %get3A_225] {strides = array<i32>} : memref<6x128xf32, #tpu.memory_space<vmem>>, vector<16xf32>,
      %add3A_227 = arith.addf %get3A_223, %get3A_226 : vector<16xf32>
      %get3A_228 = arith.index_cast %select_n3A_144 : i32 to index
      %get3A_229 = arith.constant 80 : index
      %get3A_230 = tpu.vector_load %arg9[%get3A_228, %get3A_229] {strides = array<i32>} : memref<2x128xf32, #tpu.memory_space<vmem>>, vector<16xf32>,
      %add3A_231 = arith.addf %add3A_227, %get3A_230 : vector<16xf32>
      %add3A_232 = arith.constant 80 : i32
      %add3A_233 = arith.addi %mul3A_146, %add3A_232 : i32
      %add3A_234 = vector.broadcast %add3A_233 : i32 to vector<16xi32>
      %add3A_235 = arith.addi %iota3A, %add3A_234 : vector<16xi32>
      tpu.vector_store_idx %arg10[%add3A_235], %add3A_231 : memref<7680xf32, #tpu.memory_space<vmem>>[vector<16xi32>], vector<16xf32>,
      %get3A_236 = arith.index_cast %select_n3A : i32 to index
      %get3A_237 = arith.constant 96 : index
      %get3A_238 = tpu.vector_load %arg7[%get3A_236, %get3A_237] {strides = array<i32>} : memref<5x128xf32, #tpu.memory_space<vmem>>, vector<16xf32>,
      %get3A_239 = arith.index_cast %select_n3A_128 : i32 to index
      %get3A_240 = arith.constant 96 : index
      %get3A_241 = tpu.vector_load %arg8[%get3A_239, %get3A_240] {strides = array<i32>} : memref<6x128xf32, #tpu.memory_space<vmem>>, vector<16xf32>,
      %add3A_242 = arith.addf %get3A_238, %get3A_241 : vector<16xf32>
      %get3A_243 = arith.index_cast %select_n3A_144 : i32 to index
      %get3A_244 = arith.constant 96 : index
      %get3A_245 = tpu.vector_load %arg9[%get3A_243, %get3A_244] {strides = array<i32>} : memref<2x128xf32, #tpu.memory_space<vmem>>, vector<16xf32>,
      %add3A_246 = arith.addf %add3A_242, %get3A_245 : vector<16xf32>
      %add3A_247 = arith.constant 96 : i32
      %add3A_248 = arith.addi %mul3A_146, %add3A_247 : i32
      %add3A_249 = vector.broadcast %add3A_248 : i32 to vector<16xi32>
      %add3A_250 = arith.addi %iota3A, %add3A_249 : vector<16xi32>
      tpu.vector_store_idx %arg10[%add3A_250], %add3A_246 : memref<7680xf32, #tpu.memory_space<vmem>>[vector<16xi32>], vector<16xf32>,
      %get3A_251 = arith.index_cast %select_n3A : i32 to index
      %get3A_252 = arith.constant 112 : index
      %get3A_253 = tpu.vector_load %arg7[%get3A_251, %get3A_252] {strides = array<i32>} : memref<5x128xf32, #tpu.memory_space<vmem>>, vector<16xf32>,
      %get3A_254 = arith.index_cast %select_n3A_128 : i32 to index
      %get3A_255 = arith.constant 112 : index
      %get3A_256 = tpu.vector_load %arg8[%get3A_254, %get3A_255] {strides = array<i32>} : memref<6x128xf32, #tpu.memory_space<vmem>>, vector<16xf32>,
      %add3A_257 = arith.addf %get3A_253, %get3A_256 : vector<16xf32>
      %get3A_258 = arith.index_cast %select_n3A_144 : i32 to index
      %get3A_259 = arith.constant 112 : index
      %get3A_260 = tpu.vector_load %arg9[%get3A_258, %get3A_259] {strides = array<i32>} : memref<2x128xf32, #tpu.memory_space<vmem>>, vector<16xf32>,
      %add3A_261 = arith.addf %add3A_257, %get3A_260 : vector<16xf32>
      %add3A_262 = arith.constant 112 : i32
      %add3A_263 = arith.addi %mul3A_146, %add3A_262 : i32
      %add3A_264 = vector.broadcast %add3A_263 : i32 to vector<16xi32>
      %add3A_265 = arith.addi %iota3A, %add3A_264 : vector<16xi32>
      tpu.vector_store_idx %arg10[%add3A_265], %add3A_261 : memref<7680xf32, #tpu.memory_space<vmem>>[vector<16xi32>], vector<16xf32>,
    }
    %scan3A_30 = arith.constant 60 : i32
    %scan3A_31 = arith.constant 0 : i32
    %scan3A_32 = arith.constant 0 : i32
    %scan3A_33 = arith.constant 12 : i32
    %scan3A_34 = arith.addi %scan3A_32, %scan3A_33 : i32
    %scan3A_35 = arith.constant 1 : i32
    scf.for %scan3A_74 = %scan3A_32 to %scan3A_34 step %scan3A_35  : i32 {
      %mul3A_75 = arith.constant 2 : i32
      %mul3A_76 = arith.muli %mul3A_75, %scan3A_74 : i32
      %dma_wait3A_77 = arith.constant 0 : i32
      %dma_wait3A_78 = tpu.memref_slice %arg2[%dma_wait3A_77] : memref<960000xi32, #tpu.memory_space<hbm>> -> memref<400xi32, #tpu.memory_space<hbm>>
      %dma_wait3A_79 = arith.constant 0 : i32
      %dma_wait3A_80 = tpu.memref_slice %arg2[%dma_wait3A_79] : memref<960000xi32, #tpu.memory_space<hbm>> -> memref<400xi32, #tpu.memory_space<hbm>>
      tpu.wait_dma2 semaphore(%arg21 : memref<!tpu.dma_semaphore, #tpu.memory_space<semaphore_mem>>) src(%dma_wait3A_80 : memref<400xi32, #tpu.memory_space<hbm>>) dst(%arg11 : memref<400xi32, #tpu.memory_space<vmem>>)
      %dma_wait3A_81 = arith.constant 0 : i32
      %dma_wait3A_82 = tpu.memref_slice %arg2[%dma_wait3A_81] : memref<960000xi32, #tpu.memory_space<hbm>> -> memref<400xi32, #tpu.memory_space<hbm>>
      %dma_wait3A_83 = arith.constant 0 : i32
      %dma_wait3A_84 = tpu.memref_slice %arg2[%dma_wait3A_83] : memref<960000xi32, #tpu.memory_space<hbm>> -> memref<400xi32, #tpu.memory_space<hbm>>
      tpu.wait_dma2 semaphore(%arg21 : memref<!tpu.dma_semaphore, #tpu.memory_space<semaphore_mem>>) src(%dma_wait3A_84 : memref<400xi32, #tpu.memory_space<hbm>>) dst(%arg13 : memref<400xi32, #tpu.memory_space<vmem>>)
      %dma_wait3A_85 = arith.constant 0 : i32
      %dma_wait3A_86 = tpu.memref_slice %arg2[%dma_wait3A_85] : memref<960000xi32, #tpu.memory_space<hbm>> -> memref<400xi32, #tpu.memory_space<hbm>>
      %dma_wait3A_87 = arith.constant 0 : i32
      %dma_wait3A_88 = tpu.memref_slice %arg2[%dma_wait3A_87] : memref<960000xi32, #tpu.memory_space<hbm>> -> memref<400xi32, #tpu.memory_space<hbm>>
      tpu.wait_dma2 semaphore(%arg21 : memref<!tpu.dma_semaphore, #tpu.memory_space<semaphore_mem>>) src(%dma_wait3A_88 : memref<400xi32, #tpu.memory_space<hbm>>) dst(%arg15 : memref<400xi32, #tpu.memory_space<vmem>>)
      %scan3A_89 = arith.constant 0 : i32
      %scan3A_90 = arith.constant 0 : i32
      %scan3A_91 = arith.constant 25 : i32
      %scan3A_92 = arith.addi %scan3A_90, %scan3A_91 : i32
      %scan3A_93 = arith.constant 1 : i32
      scf.for %scan3A_157 = %scan3A_90 to %scan3A_92 step %scan3A_93  : i32 {
        %mul3A_158 = arith.constant 16 : i32
        %mul3A_159 = arith.muli %scan3A_157, %mul3A_158 : i32
        %get3A = arith.index_cast %mul3A_159 : i32 to index
        %get3A_160 = tpu.vector_load %arg11[%get3A] {strides = array<i32>} : memref<400xi32, #tpu.memory_space<vmem>>, vector<16xi32>,
        %mul3A_161 = arith.constant 12 : i32
        %mul3A_162 = vector.broadcast %mul3A_161 : i32 to vector<16xi32>
        %mul3A_163 = arith.muli %get3A_160, %mul3A_162 : vector<16xi32>
        %get3A_164 = arith.index_cast %mul3A_159 : i32 to index
        %get3A_165 = tpu.vector_load %arg13[%get3A_164] {strides = array<i32>} : memref<400xi32, #tpu.memory_space<vmem>>, vector<16xi32>,
        %mul3A_166 = arith.constant 2 : i32
        %mul3A_167 = vector.broadcast %mul3A_166 : i32 to vector<16xi32>
        %mul3A_168 = arith.muli %get3A_165, %mul3A_167 : vector<16xi32>
        %add3A_169 = arith.addi %mul3A_163, %mul3A_168 : vector<16xi32>
        %get3A_170 = arith.index_cast %mul3A_159 : i32 to index
        %get3A_171 = tpu.vector_load %arg15[%get3A_170] {strides = array<i32>} : memref<400xi32, #tpu.memory_space<vmem>>, vector<16xi32>,
        %add3A_172 = arith.addi %add3A_169, %get3A_171 : vector<16xi32>
        %mul3A_173 = arith.constant 128 : i32
        %mul3A_174 = vector.broadcast %mul3A_173 : i32 to vector<16xi32>
        %mul3A_175 = arith.muli %add3A_172, %mul3A_174 : vector<16xi32>
        %swap3A = arith.index_cast %mul3A_159 : i32 to index
        %swap3A_176 = tpu.vector_load %arg17[%swap3A] {strides = array<i32>} : memref<400xi32, #tpu.memory_space<vmem>>, vector<16xi32>,
        tpu.vector_store %arg17[%swap3A], %mul3A_175 {strides = array<i32>} : memref<400xi32, #tpu.memory_space<vmem>>, vector<16xi32>,
      }
      %scan3A_94 = arith.constant 25 : i32
      %add3A_95 = arith.constant 2 : i32
      %add3A_96 = arith.addi %mul3A_76, %add3A_95 : i32
      %lt3A = arith.constant 25 : i32
      %lt3A_97 = arith.cmpi slt, %add3A_96, %lt3A : i32
      %convert_element_type3A = arith.extui %lt3A_97 : i1 to i32
      %cond3A = arith.constant 0 : i32
      %cond3A_98 = arith.cmpi ne, %convert_element_type3A, %cond3A : i32
      scf.if %cond3A_98 {
        %add3A_157 = arith.constant 2 : i32
        %add3A_158 = arith.addi %mul3A_76, %add3A_157 : i32
        %mul3A_159 = arith.constant 400 : i32
        %mul3A_160 = arith.muli %add3A_158, %mul3A_159 : i32
        %add3A_161 = arith.addi %mul3A_2, %mul3A_160 : i32
        %dma_start3A_162 = tpu.memref_slice %arg2[%add3A_161] : memref<960000xi32, #tpu.memory_space<hbm>> -> memref<400xi32, #tpu.memory_space<hbm>>
        %dma_start3A_163 = tpu.memref_slice %arg2[%add3A_161] : memref<960000xi32, #tpu.memory_space<hbm>> -> memref<400xi32, #tpu.memory_space<hbm>>
        tpu.enqueue_dma source(%dma_start3A_163 : memref<400xi32, #tpu.memory_space<hbm>>) target(%arg11 : memref<400xi32, #tpu.memory_space<vmem>>) target_semaphore(%arg21 : memref<!tpu.dma_semaphore, #tpu.memory_space<semaphore_mem>>)
        %add3A_164 = arith.constant 320000 : i32
        %add3A_165 = arith.addi %add3A_164, %add3A_161 : i32
        %dma_start3A_166 = tpu.memref_slice %arg2[%add3A_165] : memref<960000xi32, #tpu.memory_space<hbm>> -> memref<400xi32, #tpu.memory_space<hbm>>
        %dma_start3A_167 = tpu.memref_slice %arg2[%add3A_165] : memref<960000xi32, #tpu.memory_space<hbm>> -> memref<400xi32, #tpu.memory_space<hbm>>
        tpu.enqueue_dma source(%dma_start3A_167 : memref<400xi32, #tpu.memory_space<hbm>>) target(%arg13 : memref<400xi32, #tpu.memory_space<vmem>>) target_semaphore(%arg21 : memref<!tpu.dma_semaphore, #tpu.memory_space<semaphore_mem>>)
        %add3A_168 = arith.constant 640000 : i32
        %add3A_169 = arith.addi %add3A_168, %add3A_161 : i32
        %dma_start3A_170 = tpu.memref_slice %arg2[%add3A_169] : memref<960000xi32, #tpu.memory_space<hbm>> -> memref<400xi32, #tpu.memory_space<hbm>>
        %dma_start3A_171 = tpu.memref_slice %arg2[%add3A_169] : memref<960000xi32, #tpu.memory_space<hbm>> -> memref<400xi32, #tpu.memory_space<hbm>>
        tpu.enqueue_dma source(%dma_start3A_171 : memref<400xi32, #tpu.memory_space<hbm>>) target(%arg15 : memref<400xi32, #tpu.memory_space<vmem>>) target_semaphore(%arg21 : memref<!tpu.dma_semaphore, #tpu.memory_space<semaphore_mem>>)
      } else {
      }
      %ge3A = arith.constant 2 : i32
      %ge3A_99 = arith.cmpi sge, %mul3A_76, %ge3A : i32
      %convert_element_type3A_100 = arith.extui %ge3A_99 : i1 to i32
      %cond3A_101 = arith.constant 0 : i32
      %cond3A_102 = arith.cmpi ne, %convert_element_type3A_100, %cond3A_101 : i32
      scf.if %cond3A_102 {
        %dma_wait3A_157 = arith.constant 0 : i32
        %dma_wait3A_158 = tpu.memref_slice %arg6[%dma_wait3A_157] : memref<40960000xf32, #tpu.memory_space<hbm>> -> memref<51200xf32, #tpu.memory_space<hbm>>
        %dma_wait3A_159 = arith.constant 0 : i32
        %dma_wait3A_160 = tpu.memref_slice %arg6[%dma_wait3A_159] : memref<40960000xf32, #tpu.memory_space<hbm>> -> memref<51200xf32, #tpu.memory_space<hbm>>
        tpu.wait_dma2 semaphore(%arg23 : memref<!tpu.dma_semaphore, #tpu.memory_space<semaphore_mem>>) src(%arg19 : memref<51200xf32, #tpu.memory_space<vmem>>) dst(%dma_wait3A_160 : memref<51200xf32, #tpu.memory_space<hbm>>)
      } else {
      }
      %parallel_loop3A_103 = arith.constant 0 : i32
      %parallel_loop3A_104 = arith.constant 400 : i32
      %parallel_loop3A_105 = arith.constant 1 : i32
      scf.for %parallel_loop3A_157 = %parallel_loop3A_103 to %parallel_loop3A_104 step %parallel_loop3A_105  : i32 {
        %parallel_loop3A_158 = vector.broadcast %parallel_loop3A_157 : i32 to vector<16xi32>
        %parallel_loop3A_159 = tpu.vector_load_idx %arg17[%parallel_loop3A_158] : memref<400xi32, #tpu.memory_space<vmem>>[vector<16xi32>], vector<16xi32>,
        %parallel_loop3A_160 = arith.addi %parallel_loop3A_159, %iota3A : vector<16xi32>
        %parallel_loop3A_161 = arith.constant 128 : i32
        %parallel_loop3A_162 = arith.muli %parallel_loop3A_157, %parallel_loop3A_161 : i32
        %parallel_loop3A_163 = arith.constant 0 : i32
        %parallel_loop3A_164 = vector.broadcast %parallel_loop3A_163 : i32 to vector<16xi32>
        %parallel_loop3A_165 = arith.addi %parallel_loop3A_160, %parallel_loop3A_164 : vector<16xi32>
        %parallel_loop3A_166 = tpu.vector_load_idx %arg10[%parallel_loop3A_165] : memref<7680xf32, #tpu.memory_space<vmem>>[vector<16xi32>], vector<16xf32>,
        %parallel_loop3A_167 = arith.constant 0 : i32
        %parallel_loop3A_168 = arith.addi %parallel_loop3A_162, %parallel_loop3A_167 : i32
        %parallel_loop3A_169 = arith.index_cast %parallel_loop3A_168 : i32 to index
        %parallel_loop3A_170 = tpu.vector_load %arg19[%parallel_loop3A_169] {strides = array<i32>} : memref<51200xf32, #tpu.memory_space<vmem>>, vector<16xf32>,
        tpu.vector_store %arg19[%parallel_loop3A_169], %parallel_loop3A_166 {strides = array<i32>} : memref<51200xf32, #tpu.memory_space<vmem>>, vector<16xf32>,
        %parallel_loop3A_171 = arith.constant 16 : i32
        %parallel_loop3A_172 = vector.broadcast %parallel_loop3A_171 : i32 to vector<16xi32>
        %parallel_loop3A_173 = arith.addi %parallel_loop3A_160, %parallel_loop3A_172 : vector<16xi32>
        %parallel_loop3A_174 = tpu.vector_load_idx %arg10[%parallel_loop3A_173] : memref<7680xf32, #tpu.memory_space<vmem>>[vector<16xi32>], vector<16xf32>,
        %parallel_loop3A_175 = arith.constant 16 : i32
        %parallel_loop3A_176 = arith.addi %parallel_loop3A_162, %parallel_loop3A_175 : i32
        %parallel_loop3A_177 = arith.index_cast %parallel_loop3A_176 : i32 to index
        %parallel_loop3A_178 = tpu.vector_load %arg19[%parallel_loop3A_177] {strides = array<i32>} : memref<51200xf32, #tpu.memory_space<vmem>>, vector<16xf32>,
        tpu.vector_store %arg19[%parallel_loop3A_177], %parallel_loop3A_174 {strides = array<i32>} : memref<51200xf32, #tpu.memory_space<vmem>>, vector<16xf32>,
        %parallel_loop3A_179 = arith.constant 32 : i32
        %parallel_loop3A_180 = vector.broadcast %parallel_loop3A_179 : i32 to vector<16xi32>
        %parallel_loop3A_181 = arith.addi %parallel_loop3A_160, %parallel_loop3A_180 : vector<16xi32>
        %parallel_loop3A_182 = tpu.vector_load_idx %arg10[%parallel_loop3A_181] : memref<7680xf32, #tpu.memory_space<vmem>>[vector<16xi32>], vector<16xf32>,
        %parallel_loop3A_183 = arith.constant 32 : i32
        %parallel_loop3A_184 = arith.addi %parallel_loop3A_162, %parallel_loop3A_183 : i32
        %parallel_loop3A_185 = arith.index_cast %parallel_loop3A_184 : i32 to index
        %parallel_loop3A_186 = tpu.vector_load %arg19[%parallel_loop3A_185] {strides = array<i32>} : memref<51200xf32, #tpu.memory_space<vmem>>, vector<16xf32>,
        tpu.vector_store %arg19[%parallel_loop3A_185], %parallel_loop3A_182 {strides = array<i32>} : memref<51200xf32, #tpu.memory_space<vmem>>, vector<16xf32>,
        %parallel_loop3A_187 = arith.constant 48 : i32
        %parallel_loop3A_188 = vector.broadcast %parallel_loop3A_187 : i32 to vector<16xi32>
        %parallel_loop3A_189 = arith.addi %parallel_loop3A_160, %parallel_loop3A_188 : vector<16xi32>
        %parallel_loop3A_190 = tpu.vector_load_idx %arg10[%parallel_loop3A_189] : memref<7680xf32, #tpu.memory_space<vmem>>[vector<16xi32>], vector<16xf32>,
        %parallel_loop3A_191 = arith.constant 48 : i32
        %parallel_loop3A_192 = arith.addi %parallel_loop3A_162, %parallel_loop3A_191 : i32
        %parallel_loop3A_193 = arith.index_cast %parallel_loop3A_192 : i32 to index
        %parallel_loop3A_194 = tpu.vector_load %arg19[%parallel_loop3A_193] {strides = array<i32>} : memref<51200xf32, #tpu.memory_space<vmem>>, vector<16xf32>,
        tpu.vector_store %arg19[%parallel_loop3A_193], %parallel_loop3A_190 {strides = array<i32>} : memref<51200xf32, #tpu.memory_space<vmem>>, vector<16xf32>,
        %parallel_loop3A_195 = arith.constant 64 : i32
        %parallel_loop3A_196 = vector.broadcast %parallel_loop3A_195 : i32 to vector<16xi32>
        %parallel_loop3A_197 = arith.addi %parallel_loop3A_160, %parallel_loop3A_196 : vector<16xi32>
        %parallel_loop3A_198 = tpu.vector_load_idx %arg10[%parallel_loop3A_197] : memref<7680xf32, #tpu.memory_space<vmem>>[vector<16xi32>], vector<16xf32>,
        %parallel_loop3A_199 = arith.constant 64 : i32
        %parallel_loop3A_200 = arith.addi %parallel_loop3A_162, %parallel_loop3A_199 : i32
        %parallel_loop3A_201 = arith.index_cast %parallel_loop3A_200 : i32 to index
        %parallel_loop3A_202 = tpu.vector_load %arg19[%parallel_loop3A_201] {strides = array<i32>} : memref<51200xf32, #tpu.memory_space<vmem>>, vector<16xf32>,
        tpu.vector_store %arg19[%parallel_loop3A_201], %parallel_loop3A_198 {strides = array<i32>} : memref<51200xf32, #tpu.memory_space<vmem>>, vector<16xf32>,
        %parallel_loop3A_203 = arith.constant 80 : i32
        %parallel_loop3A_204 = vector.broadcast %parallel_loop3A_203 : i32 to vector<16xi32>
        %parallel_loop3A_205 = arith.addi %parallel_loop3A_160, %parallel_loop3A_204 : vector<16xi32>
        %parallel_loop3A_206 = tpu.vector_load_idx %arg10[%parallel_loop3A_205] : memref<7680xf32, #tpu.memory_space<vmem>>[vector<16xi32>], vector<16xf32>,
        %parallel_loop3A_207 = arith.constant 80 : i32
        %parallel_loop3A_208 = arith.addi %parallel_loop3A_162, %parallel_loop3A_207 : i32
        %parallel_loop3A_209 = arith.index_cast %parallel_loop3A_208 : i32 to index
        %parallel_loop3A_210 = tpu.vector_load %arg19[%parallel_loop3A_209] {strides = array<i32>} : memref<51200xf32, #tpu.memory_space<vmem>>, vector<16xf32>,
        tpu.vector_store %arg19[%parallel_loop3A_209], %parallel_loop3A_206 {strides = array<i32>} : memref<51200xf32, #tpu.memory_space<vmem>>, vector<16xf32>,
        %parallel_loop3A_211 = arith.constant 96 : i32
        %parallel_loop3A_212 = vector.broadcast %parallel_loop3A_211 : i32 to vector<16xi32>
        %parallel_loop3A_213 = arith.addi %parallel_loop3A_160, %parallel_loop3A_212 : vector<16xi32>
        %parallel_loop3A_214 = tpu.vector_load_idx %arg10[%parallel_loop3A_213] : memref<7680xf32, #tpu.memory_space<vmem>>[vector<16xi32>], vector<16xf32>,
        %parallel_loop3A_215 = arith.constant 96 : i32
        %parallel_loop3A_216 = arith.addi %parallel_loop3A_162, %parallel_loop3A_215 : i32
        %parallel_loop3A_217 = arith.index_cast %parallel_loop3A_216 : i32 to index
        %parallel_loop3A_218 = tpu.vector_load %arg19[%parallel_loop3A_217] {strides = array<i32>} : memref<51200xf32, #tpu.memory_space<vmem>>, vector<16xf32>,
        tpu.vector_store %arg19[%parallel_loop3A_217], %parallel_loop3A_214 {strides = array<i32>} : memref<51200xf32, #tpu.memory_space<vmem>>, vector<16xf32>,
        %parallel_loop3A_219 = arith.constant 112 : i32
        %parallel_loop3A_220 = vector.broadcast %parallel_loop3A_219 : i32 to vector<16xi32>
        %parallel_loop3A_221 = arith.addi %parallel_loop3A_160, %parallel_loop3A_220 : vector<16xi32>
        %parallel_loop3A_222 = tpu.vector_load_idx %arg10[%parallel_loop3A_221] : memref<7680xf32, #tpu.memory_space<vmem>>[vector<16xi32>], vector<16xf32>,
        %parallel_loop3A_223 = arith.constant 112 : i32
        %parallel_loop3A_224 = arith.addi %parallel_loop3A_162, %parallel_loop3A_223 : i32
        %parallel_loop3A_225 = arith.index_cast %parallel_loop3A_224 : i32 to index
        %parallel_loop3A_226 = tpu.vector_load %arg19[%parallel_loop3A_225] {strides = array<i32>} : memref<51200xf32, #tpu.memory_space<vmem>>, vector<16xf32>,
        tpu.vector_store %arg19[%parallel_loop3A_225], %parallel_loop3A_222 {strides = array<i32>} : memref<51200xf32, #tpu.memory_space<vmem>>, vector<16xf32>,
      } {sc.loop_unroll_factor = 2 : i64, sc.parallel_access}
      %mul3A_106 = arith.constant 400 : i32
      %mul3A_107 = arith.muli %mul3A_76, %mul3A_106 : i32
      %add3A_108 = arith.addi %mul3A_2, %mul3A_107 : i32
      %mul3A_109 = arith.constant 128 : i32
      %mul3A_110 = arith.muli %add3A_108, %mul3A_109 : i32
      %dma_start3A_111 = tpu.memref_slice %arg6[%mul3A_110] : memref<40960000xf32, #tpu.memory_space<hbm>> -> memref<51200xf32, #tpu.memory_space<hbm>>
      %dma_start3A_112 = tpu.memref_slice %arg6[%mul3A_110] : memref<40960000xf32, #tpu.memory_space<hbm>> -> memref<51200xf32, #tpu.memory_space<hbm>>
      tpu.enqueue_dma source(%arg19 : memref<51200xf32, #tpu.memory_space<vmem>>) target(%dma_start3A_112 : memref<51200xf32, #tpu.memory_space<hbm>>) target_semaphore(%arg23 : memref<!tpu.dma_semaphore, #tpu.memory_space<semaphore_mem>>)
      %mul3A_113 = arith.constant 2 : i32
      %mul3A_114 = arith.muli %mul3A_113, %scan3A_74 : i32
      %add3A_115 = arith.constant 1 : i32
      %add3A_116 = arith.addi %mul3A_114, %add3A_115 : i32
      %dma_wait3A_117 = arith.constant 0 : i32
      %dma_wait3A_118 = tpu.memref_slice %arg2[%dma_wait3A_117] : memref<960000xi32, #tpu.memory_space<hbm>> -> memref<400xi32, #tpu.memory_space<hbm>>
      %dma_wait3A_119 = arith.constant 0 : i32
      %dma_wait3A_120 = tpu.memref_slice %arg2[%dma_wait3A_119] : memref<960000xi32, #tpu.memory_space<hbm>> -> memref<400xi32, #tpu.memory_space<hbm>>
      tpu.wait_dma2 semaphore(%arg22 : memref<!tpu.dma_semaphore, #tpu.memory_space<semaphore_mem>>) src(%dma_wait3A_120 : memref<400xi32, #tpu.memory_space<hbm>>) dst(%arg12 : memref<400xi32, #tpu.memory_space<vmem>>)
      %dma_wait3A_121 = arith.constant 0 : i32
      %dma_wait3A_122 = tpu.memref_slice %arg2[%dma_wait3A_121] : memref<960000xi32, #tpu.memory_space<hbm>> -> memref<400xi32, #tpu.memory_space<hbm>>
      %dma_wait3A_123 = arith.constant 0 : i32
      %dma_wait3A_124 = tpu.memref_slice %arg2[%dma_wait3A_123] : memref<960000xi32, #tpu.memory_space<hbm>> -> memref<400xi32, #tpu.memory_space<hbm>>
      tpu.wait_dma2 semaphore(%arg22 : memref<!tpu.dma_semaphore, #tpu.memory_space<semaphore_mem>>) src(%dma_wait3A_124 : memref<400xi32, #tpu.memory_space<hbm>>) dst(%arg14 : memref<400xi32, #tpu.memory_space<vmem>>)
      %dma_wait3A_125 = arith.constant 0 : i32
      %dma_wait3A_126 = tpu.memref_slice %arg2[%dma_wait3A_125] : memref<960000xi32, #tpu.memory_space<hbm>> -> memref<400xi32, #tpu.memory_space<hbm>>
      %dma_wait3A_127 = arith.constant 0 : i32
      %dma_wait3A_128 = tpu.memref_slice %arg2[%dma_wait3A_127] : memref<960000xi32, #tpu.memory_space<hbm>> -> memref<400xi32, #tpu.memory_space<hbm>>
      tpu.wait_dma2 semaphore(%arg22 : memref<!tpu.dma_semaphore, #tpu.memory_space<semaphore_mem>>) src(%dma_wait3A_128 : memref<400xi32, #tpu.memory_space<hbm>>) dst(%arg16 : memref<400xi32, #tpu.memory_space<vmem>>)
      %scan3A_129 = arith.constant 0 : i32
      %scan3A_130 = arith.constant 0 : i32
      %scan3A_131 = arith.constant 25 : i32
      %scan3A_132 = arith.addi %scan3A_130, %scan3A_131 : i32
      %scan3A_133 = arith.constant 1 : i32
      scf.for %scan3A_157 = %scan3A_130 to %scan3A_132 step %scan3A_133  : i32 {
        %mul3A_158 = arith.constant 16 : i32
        %mul3A_159 = arith.muli %scan3A_157, %mul3A_158 : i32
        %get3A = arith.index_cast %mul3A_159 : i32 to index
        %get3A_160 = tpu.vector_load %arg12[%get3A] {strides = array<i32>} : memref<400xi32, #tpu.memory_space<vmem>>, vector<16xi32>,
        %mul3A_161 = arith.constant 12 : i32
        %mul3A_162 = vector.broadcast %mul3A_161 : i32 to vector<16xi32>
        %mul3A_163 = arith.muli %get3A_160, %mul3A_162 : vector<16xi32>
        %get3A_164 = arith.index_cast %mul3A_159 : i32 to index
        %get3A_165 = tpu.vector_load %arg14[%get3A_164] {strides = array<i32>} : memref<400xi32, #tpu.memory_space<vmem>>, vector<16xi32>,
        %mul3A_166 = arith.constant 2 : i32
        %mul3A_167 = vector.broadcast %mul3A_166 : i32 to vector<16xi32>
        %mul3A_168 = arith.muli %get3A_165, %mul3A_167 : vector<16xi32>
        %add3A_169 = arith.addi %mul3A_163, %mul3A_168 : vector<16xi32>
        %get3A_170 = arith.index_cast %mul3A_159 : i32 to index
        %get3A_171 = tpu.vector_load %arg16[%get3A_170] {strides = array<i32>} : memref<400xi32, #tpu.memory_space<vmem>>, vector<16xi32>,
        %add3A_172 = arith.addi %add3A_169, %get3A_171 : vector<16xi32>
        %mul3A_173 = arith.constant 128 : i32
        %mul3A_174 = vector.broadcast %mul3A_173 : i32 to vector<16xi32>
        %mul3A_175 = arith.muli %add3A_172, %mul3A_174 : vector<16xi32>
        %swap3A = arith.index_cast %mul3A_159 : i32 to index
        %swap3A_176 = tpu.vector_load %arg18[%swap3A] {strides = array<i32>} : memref<400xi32, #tpu.memory_space<vmem>>, vector<16xi32>,
        tpu.vector_store %arg18[%swap3A], %mul3A_175 {strides = array<i32>} : memref<400xi32, #tpu.memory_space<vmem>>, vector<16xi32>,
      }
      %scan3A_134 = arith.constant 25 : i32
      %add3A_135 = arith.constant 2 : i32
      %add3A_136 = arith.addi %add3A_116, %add3A_135 : i32
      %lt3A_137 = arith.constant 25 : i32
      %lt3A_138 = arith.cmpi slt, %add3A_136, %lt3A_137 : i32
      %convert_element_type3A_139 = arith.extui %lt3A_138 : i1 to i32
      %cond3A_140 = arith.constant 0 : i32
      %cond3A_141 = arith.cmpi ne, %convert_element_type3A_139, %cond3A_140 : i32
      scf.if %cond3A_141 {
        %add3A_157 = arith.constant 2 : i32
        %add3A_158 = arith.addi %add3A_116, %add3A_157 : i32
        %mul3A_159 = arith.constant 400 : i32
        %mul3A_160 = arith.muli %add3A_158, %mul3A_159 : i32
        %add3A_161 = arith.addi %mul3A_2, %mul3A_160 : i32
        %dma_start3A_162 = tpu.memref_slice %arg2[%add3A_161] : memref<960000xi32, #tpu.memory_space<hbm>> -> memref<400xi32, #tpu.memory_space<hbm>>
        %dma_start3A_163 = tpu.memref_slice %arg2[%add3A_161] : memref<960000xi32, #tpu.memory_space<hbm>> -> memref<400xi32, #tpu.memory_space<hbm>>
        tpu.enqueue_dma source(%dma_start3A_163 : memref<400xi32, #tpu.memory_space<hbm>>) target(%arg12 : memref<400xi32, #tpu.memory_space<vmem>>) target_semaphore(%arg22 : memref<!tpu.dma_semaphore, #tpu.memory_space<semaphore_mem>>)
        %add3A_164 = arith.constant 320000 : i32
        %add3A_165 = arith.addi %add3A_164, %add3A_161 : i32
        %dma_start3A_166 = tpu.memref_slice %arg2[%add3A_165] : memref<960000xi32, #tpu.memory_space<hbm>> -> memref<400xi32, #tpu.memory_space<hbm>>
        %dma_start3A_167 = tpu.memref_slice %arg2[%add3A_165] : memref<960000xi32, #tpu.memory_space<hbm>> -> memref<400xi32, #tpu.memory_space<hbm>>
        tpu.enqueue_dma source(%dma_start3A_167 : memref<400xi32, #tpu.memory_space<hbm>>) target(%arg14 : memref<400xi32, #tpu.memory_space<vmem>>) target_semaphore(%arg22 : memref<!tpu.dma_semaphore, #tpu.memory_space<semaphore_mem>>)
        %add3A_168 = arith.constant 640000 : i32
        %add3A_169 = arith.addi %add3A_168, %add3A_161 : i32
        %dma_start3A_170 = tpu.memref_slice %arg2[%add3A_169] : memref<960000xi32, #tpu.memory_space<hbm>> -> memref<400xi32, #tpu.memory_space<hbm>>
        %dma_start3A_171 = tpu.memref_slice %arg2[%add3A_169] : memref<960000xi32, #tpu.memory_space<hbm>> -> memref<400xi32, #tpu.memory_space<hbm>>
        tpu.enqueue_dma source(%dma_start3A_171 : memref<400xi32, #tpu.memory_space<hbm>>) target(%arg16 : memref<400xi32, #tpu.memory_space<vmem>>) target_semaphore(%arg22 : memref<!tpu.dma_semaphore, #tpu.memory_space<semaphore_mem>>)
      } else {
      }
      %ge3A_142 = arith.constant 2 : i32
      %ge3A_143 = arith.cmpi sge, %add3A_116, %ge3A_142 : i32
      %convert_element_type3A_144 = arith.extui %ge3A_143 : i1 to i32
      %cond3A_145 = arith.constant 0 : i32
      %cond3A_146 = arith.cmpi ne, %convert_element_type3A_144, %cond3A_145 : i32
      scf.if %cond3A_146 {
        %dma_wait3A_157 = arith.constant 0 : i32
        %dma_wait3A_158 = tpu.memref_slice %arg6[%dma_wait3A_157] : memref<40960000xf32, #tpu.memory_space<hbm>> -> memref<51200xf32, #tpu.memory_space<hbm>>
        %dma_wait3A_159 = arith.constant 0 : i32
        %dma_wait3A_160 = tpu.memref_slice %arg6[%dma_wait3A_159] : memref<40960000xf32, #tpu.memory_space<hbm>> -> memref<51200xf32, #tpu.memory_space<hbm>>
        tpu.wait_dma2 semaphore(%arg24 : memref<!tpu.dma_semaphore, #tpu.memory_space<semaphore_mem>>) src(%arg20 : memref<51200xf32, #tpu.memory_space<vmem>>) dst(%dma_wait3A_160 : memref<51200xf32, #tpu.memory_space<hbm>>)
      } else {
      }
      %parallel_loop3A_147 = arith.constant 0 : i32
      %parallel_loop3A_148 = arith.constant 400 : i32
      %parallel_loop3A_149 = arith.constant 1 : i32
      scf.for %parallel_loop3A_157 = %parallel_loop3A_147 to %parallel_loop3A_148 step %parallel_loop3A_149  : i32 {
        %parallel_loop3A_158 = vector.broadcast %parallel_loop3A_157 : i32 to vector<16xi32>
        %parallel_loop3A_159 = tpu.vector_load_idx %arg18[%parallel_loop3A_158] : memref<400xi32, #tpu.memory_space<vmem>>[vector<16xi32>], vector<16xi32>,
        %parallel_loop3A_160 = arith.addi %parallel_loop3A_159, %iota3A : vector<16xi32>
        %parallel_loop3A_161 = arith.constant 128 : i32
        %parallel_loop3A_162 = arith.muli %parallel_loop3A_157, %parallel_loop3A_161 : i32
        %parallel_loop3A_163 = arith.constant 0 : i32
        %parallel_loop3A_164 = vector.broadcast %parallel_loop3A_163 : i32 to vector<16xi32>
        %parallel_loop3A_165 = arith.addi %parallel_loop3A_160, %parallel_loop3A_164 : vector<16xi32>
        %parallel_loop3A_166 = tpu.vector_load_idx %arg10[%parallel_loop3A_165] : memref<7680xf32, #tpu.memory_space<vmem>>[vector<16xi32>], vector<16xf32>,
        %parallel_loop3A_167 = arith.constant 0 : i32
        %parallel_loop3A_168 = arith.addi %parallel_loop3A_162, %parallel_loop3A_167 : i32
        %parallel_loop3A_169 = arith.index_cast %parallel_loop3A_168 : i32 to index
        %parallel_loop3A_170 = tpu.vector_load %arg20[%parallel_loop3A_169] {strides = array<i32>} : memref<51200xf32, #tpu.memory_space<vmem>>, vector<16xf32>,
        tpu.vector_store %arg20[%parallel_loop3A_169], %parallel_loop3A_166 {strides = array<i32>} : memref<51200xf32, #tpu.memory_space<vmem>>, vector<16xf32>,
        %parallel_loop3A_171 = arith.constant 16 : i32
        %parallel_loop3A_172 = vector.broadcast %parallel_loop3A_171 : i32 to vector<16xi32>
        %parallel_loop3A_173 = arith.addi %parallel_loop3A_160, %parallel_loop3A_172 : vector<16xi32>
        %parallel_loop3A_174 = tpu.vector_load_idx %arg10[%parallel_loop3A_173] : memref<7680xf32, #tpu.memory_space<vmem>>[vector<16xi32>], vector<16xf32>,
        %parallel_loop3A_175 = arith.constant 16 : i32
        %parallel_loop3A_176 = arith.addi %parallel_loop3A_162, %parallel_loop3A_175 : i32
        %parallel_loop3A_177 = arith.index_cast %parallel_loop3A_176 : i32 to index
        %parallel_loop3A_178 = tpu.vector_load %arg20[%parallel_loop3A_177] {strides = array<i32>} : memref<51200xf32, #tpu.memory_space<vmem>>, vector<16xf32>,
        tpu.vector_store %arg20[%parallel_loop3A_177], %parallel_loop3A_174 {strides = array<i32>} : memref<51200xf32, #tpu.memory_space<vmem>>, vector<16xf32>,
        %parallel_loop3A_179 = arith.constant 32 : i32
        %parallel_loop3A_180 = vector.broadcast %parallel_loop3A_179 : i32 to vector<16xi32>
        %parallel_loop3A_181 = arith.addi %parallel_loop3A_160, %parallel_loop3A_180 : vector<16xi32>
        %parallel_loop3A_182 = tpu.vector_load_idx %arg10[%parallel_loop3A_181] : memref<7680xf32, #tpu.memory_space<vmem>>[vector<16xi32>], vector<16xf32>,
        %parallel_loop3A_183 = arith.constant 32 : i32
        %parallel_loop3A_184 = arith.addi %parallel_loop3A_162, %parallel_loop3A_183 : i32
        %parallel_loop3A_185 = arith.index_cast %parallel_loop3A_184 : i32 to index
        %parallel_loop3A_186 = tpu.vector_load %arg20[%parallel_loop3A_185] {strides = array<i32>} : memref<51200xf32, #tpu.memory_space<vmem>>, vector<16xf32>,
        tpu.vector_store %arg20[%parallel_loop3A_185], %parallel_loop3A_182 {strides = array<i32>} : memref<51200xf32, #tpu.memory_space<vmem>>, vector<16xf32>,
        %parallel_loop3A_187 = arith.constant 48 : i32
        %parallel_loop3A_188 = vector.broadcast %parallel_loop3A_187 : i32 to vector<16xi32>
        %parallel_loop3A_189 = arith.addi %parallel_loop3A_160, %parallel_loop3A_188 : vector<16xi32>
        %parallel_loop3A_190 = tpu.vector_load_idx %arg10[%parallel_loop3A_189] : memref<7680xf32, #tpu.memory_space<vmem>>[vector<16xi32>], vector<16xf32>,
        %parallel_loop3A_191 = arith.constant 48 : i32
        %parallel_loop3A_192 = arith.addi %parallel_loop3A_162, %parallel_loop3A_191 : i32
        %parallel_loop3A_193 = arith.index_cast %parallel_loop3A_192 : i32 to index
        %parallel_loop3A_194 = tpu.vector_load %arg20[%parallel_loop3A_193] {strides = array<i32>} : memref<51200xf32, #tpu.memory_space<vmem>>, vector<16xf32>,
        tpu.vector_store %arg20[%parallel_loop3A_193], %parallel_loop3A_190 {strides = array<i32>} : memref<51200xf32, #tpu.memory_space<vmem>>, vector<16xf32>,
        %parallel_loop3A_195 = arith.constant 64 : i32
        %parallel_loop3A_196 = vector.broadcast %parallel_loop3A_195 : i32 to vector<16xi32>
        %parallel_loop3A_197 = arith.addi %parallel_loop3A_160, %parallel_loop3A_196 : vector<16xi32>
        %parallel_loop3A_198 = tpu.vector_load_idx %arg10[%parallel_loop3A_197] : memref<7680xf32, #tpu.memory_space<vmem>>[vector<16xi32>], vector<16xf32>,
        %parallel_loop3A_199 = arith.constant 64 : i32
        %parallel_loop3A_200 = arith.addi %parallel_loop3A_162, %parallel_loop3A_199 : i32
        %parallel_loop3A_201 = arith.index_cast %parallel_loop3A_200 : i32 to index
        %parallel_loop3A_202 = tpu.vector_load %arg20[%parallel_loop3A_201] {strides = array<i32>} : memref<51200xf32, #tpu.memory_space<vmem>>, vector<16xf32>,
        tpu.vector_store %arg20[%parallel_loop3A_201], %parallel_loop3A_198 {strides = array<i32>} : memref<51200xf32, #tpu.memory_space<vmem>>, vector<16xf32>,
        %parallel_loop3A_203 = arith.constant 80 : i32
        %parallel_loop3A_204 = vector.broadcast %parallel_loop3A_203 : i32 to vector<16xi32>
        %parallel_loop3A_205 = arith.addi %parallel_loop3A_160, %parallel_loop3A_204 : vector<16xi32>
        %parallel_loop3A_206 = tpu.vector_load_idx %arg10[%parallel_loop3A_205] : memref<7680xf32, #tpu.memory_space<vmem>>[vector<16xi32>], vector<16xf32>,
        %parallel_loop3A_207 = arith.constant 80 : i32
        %parallel_loop3A_208 = arith.addi %parallel_loop3A_162, %parallel_loop3A_207 : i32
        %parallel_loop3A_209 = arith.index_cast %parallel_loop3A_208 : i32 to index
        %parallel_loop3A_210 = tpu.vector_load %arg20[%parallel_loop3A_209] {strides = array<i32>} : memref<51200xf32, #tpu.memory_space<vmem>>, vector<16xf32>,
        tpu.vector_store %arg20[%parallel_loop3A_209], %parallel_loop3A_206 {strides = array<i32>} : memref<51200xf32, #tpu.memory_space<vmem>>, vector<16xf32>,
        %parallel_loop3A_211 = arith.constant 96 : i32
        %parallel_loop3A_212 = vector.broadcast %parallel_loop3A_211 : i32 to vector<16xi32>
        %parallel_loop3A_213 = arith.addi %parallel_loop3A_160, %parallel_loop3A_212 : vector<16xi32>
        %parallel_loop3A_214 = tpu.vector_load_idx %arg10[%parallel_loop3A_213] : memref<7680xf32, #tpu.memory_space<vmem>>[vector<16xi32>], vector<16xf32>,
        %parallel_loop3A_215 = arith.constant 96 : i32
        %parallel_loop3A_216 = arith.addi %parallel_loop3A_162, %parallel_loop3A_215 : i32
        %parallel_loop3A_217 = arith.index_cast %parallel_loop3A_216 : i32 to index
        %parallel_loop3A_218 = tpu.vector_load %arg20[%parallel_loop3A_217] {strides = array<i32>} : memref<51200xf32, #tpu.memory_space<vmem>>, vector<16xf32>,
        tpu.vector_store %arg20[%parallel_loop3A_217], %parallel_loop3A_214 {strides = array<i32>} : memref<51200xf32, #tpu.memory_space<vmem>>, vector<16xf32>,
        %parallel_loop3A_219 = arith.constant 112 : i32
        %parallel_loop3A_220 = vector.broadcast %parallel_loop3A_219 : i32 to vector<16xi32>
        %parallel_loop3A_221 = arith.addi %parallel_loop3A_160, %parallel_loop3A_220 : vector<16xi32>
        %parallel_loop3A_222 = tpu.vector_load_idx %arg10[%parallel_loop3A_221] : memref<7680xf32, #tpu.memory_space<vmem>>[vector<16xi32>], vector<16xf32>,
        %parallel_loop3A_223 = arith.constant 112 : i32
        %parallel_loop3A_224 = arith.addi %parallel_loop3A_162, %parallel_loop3A_223 : i32
        %parallel_loop3A_225 = arith.index_cast %parallel_loop3A_224 : i32 to index
        %parallel_loop3A_226 = tpu.vector_load %arg20[%parallel_loop3A_225] {strides = array<i32>} : memref<51200xf32, #tpu.memory_space<vmem>>, vector<16xf32>,
        tpu.vector_store %arg20[%parallel_loop3A_225], %parallel_loop3A_222 {strides = array<i32>} : memref<51200xf32, #tpu.memory_space<vmem>>, vector<16xf32>,
      } {sc.loop_unroll_factor = 2 : i64, sc.parallel_access}
      %mul3A_150 = arith.constant 400 : i32
      %mul3A_151 = arith.muli %add3A_116, %mul3A_150 : i32
      %add3A_152 = arith.addi %mul3A_2, %mul3A_151 : i32
      %mul3A_153 = arith.constant 128 : i32
      %mul3A_154 = arith.muli %add3A_152, %mul3A_153 : i32
      %dma_start3A_155 = tpu.memref_slice %arg6[%mul3A_154] : memref<40960000xf32, #tpu.memory_space<hbm>> -> memref<51200xf32, #tpu.memory_space<hbm>>
      %dma_start3A_156 = tpu.memref_slice %arg6[%mul3A_154] : memref<40960000xf32, #tpu.memory_space<hbm>> -> memref<51200xf32, #tpu.memory_space<hbm>>
      tpu.enqueue_dma source(%arg20 : memref<51200xf32, #tpu.memory_space<vmem>>) target(%dma_start3A_156 : memref<51200xf32, #tpu.memory_space<hbm>>) target_semaphore(%arg24 : memref<!tpu.dma_semaphore, #tpu.memory_space<semaphore_mem>>)
    }
    %scan3A_36 = arith.constant 12 : i32
    %dma_wait3A = arith.constant 0 : i32
    %dma_wait3A_37 = tpu.memref_slice %arg2[%dma_wait3A] : memref<960000xi32, #tpu.memory_space<hbm>> -> memref<400xi32, #tpu.memory_space<hbm>>
    %dma_wait3A_38 = arith.constant 0 : i32
    %dma_wait3A_39 = tpu.memref_slice %arg2[%dma_wait3A_38] : memref<960000xi32, #tpu.memory_space<hbm>> -> memref<400xi32, #tpu.memory_space<hbm>>
    tpu.wait_dma2 semaphore(%arg21 : memref<!tpu.dma_semaphore, #tpu.memory_space<semaphore_mem>>) src(%dma_wait3A_39 : memref<400xi32, #tpu.memory_space<hbm>>) dst(%arg11 : memref<400xi32, #tpu.memory_space<vmem>>)
    %dma_wait3A_40 = arith.constant 0 : i32
    %dma_wait3A_41 = tpu.memref_slice %arg2[%dma_wait3A_40] : memref<960000xi32, #tpu.memory_space<hbm>> -> memref<400xi32, #tpu.memory_space<hbm>>
    %dma_wait3A_42 = arith.constant 0 : i32
    %dma_wait3A_43 = tpu.memref_slice %arg2[%dma_wait3A_42] : memref<960000xi32, #tpu.memory_space<hbm>> -> memref<400xi32, #tpu.memory_space<hbm>>
    tpu.wait_dma2 semaphore(%arg21 : memref<!tpu.dma_semaphore, #tpu.memory_space<semaphore_mem>>) src(%dma_wait3A_43 : memref<400xi32, #tpu.memory_space<hbm>>) dst(%arg13 : memref<400xi32, #tpu.memory_space<vmem>>)
    %dma_wait3A_44 = arith.constant 0 : i32
    %dma_wait3A_45 = tpu.memref_slice %arg2[%dma_wait3A_44] : memref<960000xi32, #tpu.memory_space<hbm>> -> memref<400xi32, #tpu.memory_space<hbm>>
    %dma_wait3A_46 = arith.constant 0 : i32
    %dma_wait3A_47 = tpu.memref_slice %arg2[%dma_wait3A_46] : memref<960000xi32, #tpu.memory_space<hbm>> -> memref<400xi32, #tpu.memory_space<hbm>>
    tpu.wait_dma2 semaphore(%arg21 : memref<!tpu.dma_semaphore, #tpu.memory_space<semaphore_mem>>) src(%dma_wait3A_47 : memref<400xi32, #tpu.memory_space<hbm>>) dst(%arg15 : memref<400xi32, #tpu.memory_space<vmem>>)
    %scan3A_48 = arith.constant 0 : i32
    %scan3A_49 = arith.constant 0 : i32
    %scan3A_50 = arith.constant 25 : i32
    %scan3A_51 = arith.addi %scan3A_49, %scan3A_50 : i32
    %scan3A_52 = arith.constant 1 : i32
    scf.for %scan3A_74 = %scan3A_49 to %scan3A_51 step %scan3A_52  : i32 {
      %mul3A_75 = arith.constant 16 : i32
      %mul3A_76 = arith.muli %scan3A_74, %mul3A_75 : i32
      %get3A = arith.index_cast %mul3A_76 : i32 to index
      %get3A_77 = tpu.vector_load %arg11[%get3A] {strides = array<i32>} : memref<400xi32, #tpu.memory_space<vmem>>, vector<16xi32>,
      %mul3A_78 = arith.constant 12 : i32
      %mul3A_79 = vector.broadcast %mul3A_78 : i32 to vector<16xi32>
      %mul3A_80 = arith.muli %get3A_77, %mul3A_79 : vector<16xi32>
      %get3A_81 = arith.index_cast %mul3A_76 : i32 to index
      %get3A_82 = tpu.vector_load %arg13[%get3A_81] {strides = array<i32>} : memref<400xi32, #tpu.memory_space<vmem>>, vector<16xi32>,
      %mul3A_83 = arith.constant 2 : i32
      %mul3A_84 = vector.broadcast %mul3A_83 : i32 to vector<16xi32>
      %mul3A_85 = arith.muli %get3A_82, %mul3A_84 : vector<16xi32>
      %add3A_86 = arith.addi %mul3A_80, %mul3A_85 : vector<16xi32>
      %get3A_87 = arith.index_cast %mul3A_76 : i32 to index
      %get3A_88 = tpu.vector_load %arg15[%get3A_87] {strides = array<i32>} : memref<400xi32, #tpu.memory_space<vmem>>, vector<16xi32>,
      %add3A_89 = arith.addi %add3A_86, %get3A_88 : vector<16xi32>
      %mul3A_90 = arith.constant 128 : i32
      %mul3A_91 = vector.broadcast %mul3A_90 : i32 to vector<16xi32>
      %mul3A_92 = arith.muli %add3A_89, %mul3A_91 : vector<16xi32>
      %swap3A = arith.index_cast %mul3A_76 : i32 to index
      %swap3A_93 = tpu.vector_load %arg17[%swap3A] {strides = array<i32>} : memref<400xi32, #tpu.memory_space<vmem>>, vector<16xi32>,
      tpu.vector_store %arg17[%swap3A], %mul3A_92 {strides = array<i32>} : memref<400xi32, #tpu.memory_space<vmem>>, vector<16xi32>,
    }
    %scan3A_53 = arith.constant 25 : i32
    %dma_wait3A_54 = arith.constant 0 : i32
    %dma_wait3A_55 = tpu.memref_slice %arg6[%dma_wait3A_54] : memref<40960000xf32, #tpu.memory_space<hbm>> -> memref<51200xf32, #tpu.memory_space<hbm>>
    %dma_wait3A_56 = arith.constant 0 : i32
    %dma_wait3A_57 = tpu.memref_slice %arg6[%dma_wait3A_56] : memref<40960000xf32, #tpu.memory_space<hbm>> -> memref<51200xf32, #tpu.memory_space<hbm>>
    tpu.wait_dma2 semaphore(%arg23 : memref<!tpu.dma_semaphore, #tpu.memory_space<semaphore_mem>>) src(%arg19 : memref<51200xf32, #tpu.memory_space<vmem>>) dst(%dma_wait3A_57 : memref<51200xf32, #tpu.memory_space<hbm>>)
    %parallel_loop3A = arith.constant 0 : i32
    %parallel_loop3A_58 = arith.constant 400 : i32
    %parallel_loop3A_59 = arith.constant 1 : i32
    scf.for %parallel_loop3A_74 = %parallel_loop3A to %parallel_loop3A_58 step %parallel_loop3A_59  : i32 {
      %parallel_loop3A_75 = vector.broadcast %parallel_loop3A_74 : i32 to vector<16xi32>
      %parallel_loop3A_76 = tpu.vector_load_idx %arg17[%parallel_loop3A_75] : memref<400xi32, #tpu.memory_space<vmem>>[vector<16xi32>], vector<16xi32>,
      %parallel_loop3A_77 = arith.addi %parallel_loop3A_76, %iota3A : vector<16xi32>
      %parallel_loop3A_78 = arith.constant 128 : i32
      %parallel_loop3A_79 = arith.muli %parallel_loop3A_74, %parallel_loop3A_78 : i32
      %parallel_loop3A_80 = arith.constant 0 : i32
      %parallel_loop3A_81 = vector.broadcast %parallel_loop3A_80 : i32 to vector<16xi32>
      %parallel_loop3A_82 = arith.addi %parallel_loop3A_77, %parallel_loop3A_81 : vector<16xi32>
      %parallel_loop3A_83 = tpu.vector_load_idx %arg10[%parallel_loop3A_82] : memref<7680xf32, #tpu.memory_space<vmem>>[vector<16xi32>], vector<16xf32>,
      %parallel_loop3A_84 = arith.constant 0 : i32
      %parallel_loop3A_85 = arith.addi %parallel_loop3A_79, %parallel_loop3A_84 : i32
      %parallel_loop3A_86 = arith.index_cast %parallel_loop3A_85 : i32 to index
      %parallel_loop3A_87 = tpu.vector_load %arg19[%parallel_loop3A_86] {strides = array<i32>} : memref<51200xf32, #tpu.memory_space<vmem>>, vector<16xf32>,
      tpu.vector_store %arg19[%parallel_loop3A_86], %parallel_loop3A_83 {strides = array<i32>} : memref<51200xf32, #tpu.memory_space<vmem>>, vector<16xf32>,
      %parallel_loop3A_88 = arith.constant 16 : i32
      %parallel_loop3A_89 = vector.broadcast %parallel_loop3A_88 : i32 to vector<16xi32>
      %parallel_loop3A_90 = arith.addi %parallel_loop3A_77, %parallel_loop3A_89 : vector<16xi32>
      %parallel_loop3A_91 = tpu.vector_load_idx %arg10[%parallel_loop3A_90] : memref<7680xf32, #tpu.memory_space<vmem>>[vector<16xi32>], vector<16xf32>,
      %parallel_loop3A_92 = arith.constant 16 : i32
      %parallel_loop3A_93 = arith.addi %parallel_loop3A_79, %parallel_loop3A_92 : i32
      %parallel_loop3A_94 = arith.index_cast %parallel_loop3A_93 : i32 to index
      %parallel_loop3A_95 = tpu.vector_load %arg19[%parallel_loop3A_94] {strides = array<i32>} : memref<51200xf32, #tpu.memory_space<vmem>>, vector<16xf32>,
      tpu.vector_store %arg19[%parallel_loop3A_94], %parallel_loop3A_91 {strides = array<i32>} : memref<51200xf32, #tpu.memory_space<vmem>>, vector<16xf32>,
      %parallel_loop3A_96 = arith.constant 32 : i32
      %parallel_loop3A_97 = vector.broadcast %parallel_loop3A_96 : i32 to vector<16xi32>
      %parallel_loop3A_98 = arith.addi %parallel_loop3A_77, %parallel_loop3A_97 : vector<16xi32>
      %parallel_loop3A_99 = tpu.vector_load_idx %arg10[%parallel_loop3A_98] : memref<7680xf32, #tpu.memory_space<vmem>>[vector<16xi32>], vector<16xf32>,
      %parallel_loop3A_100 = arith.constant 32 : i32
      %parallel_loop3A_101 = arith.addi %parallel_loop3A_79, %parallel_loop3A_100 : i32
      %parallel_loop3A_102 = arith.index_cast %parallel_loop3A_101 : i32 to index
      %parallel_loop3A_103 = tpu.vector_load %arg19[%parallel_loop3A_102] {strides = array<i32>} : memref<51200xf32, #tpu.memory_space<vmem>>, vector<16xf32>,
      tpu.vector_store %arg19[%parallel_loop3A_102], %parallel_loop3A_99 {strides = array<i32>} : memref<51200xf32, #tpu.memory_space<vmem>>, vector<16xf32>,
      %parallel_loop3A_104 = arith.constant 48 : i32
      %parallel_loop3A_105 = vector.broadcast %parallel_loop3A_104 : i32 to vector<16xi32>
      %parallel_loop3A_106 = arith.addi %parallel_loop3A_77, %parallel_loop3A_105 : vector<16xi32>
      %parallel_loop3A_107 = tpu.vector_load_idx %arg10[%parallel_loop3A_106] : memref<7680xf32, #tpu.memory_space<vmem>>[vector<16xi32>], vector<16xf32>,
      %parallel_loop3A_108 = arith.constant 48 : i32
      %parallel_loop3A_109 = arith.addi %parallel_loop3A_79, %parallel_loop3A_108 : i32
      %parallel_loop3A_110 = arith.index_cast %parallel_loop3A_109 : i32 to index
      %parallel_loop3A_111 = tpu.vector_load %arg19[%parallel_loop3A_110] {strides = array<i32>} : memref<51200xf32, #tpu.memory_space<vmem>>, vector<16xf32>,
      tpu.vector_store %arg19[%parallel_loop3A_110], %parallel_loop3A_107 {strides = array<i32>} : memref<51200xf32, #tpu.memory_space<vmem>>, vector<16xf32>,
      %parallel_loop3A_112 = arith.constant 64 : i32
      %parallel_loop3A_113 = vector.broadcast %parallel_loop3A_112 : i32 to vector<16xi32>
      %parallel_loop3A_114 = arith.addi %parallel_loop3A_77, %parallel_loop3A_113 : vector<16xi32>
      %parallel_loop3A_115 = tpu.vector_load_idx %arg10[%parallel_loop3A_114] : memref<7680xf32, #tpu.memory_space<vmem>>[vector<16xi32>], vector<16xf32>,
      %parallel_loop3A_116 = arith.constant 64 : i32
      %parallel_loop3A_117 = arith.addi %parallel_loop3A_79, %parallel_loop3A_116 : i32
      %parallel_loop3A_118 = arith.index_cast %parallel_loop3A_117 : i32 to index
      %parallel_loop3A_119 = tpu.vector_load %arg19[%parallel_loop3A_118] {strides = array<i32>} : memref<51200xf32, #tpu.memory_space<vmem>>, vector<16xf32>,
      tpu.vector_store %arg19[%parallel_loop3A_118], %parallel_loop3A_115 {strides = array<i32>} : memref<51200xf32, #tpu.memory_space<vmem>>, vector<16xf32>,
      %parallel_loop3A_120 = arith.constant 80 : i32
      %parallel_loop3A_121 = vector.broadcast %parallel_loop3A_120 : i32 to vector<16xi32>
      %parallel_loop3A_122 = arith.addi %parallel_loop3A_77, %parallel_loop3A_121 : vector<16xi32>
      %parallel_loop3A_123 = tpu.vector_load_idx %arg10[%parallel_loop3A_122] : memref<7680xf32, #tpu.memory_space<vmem>>[vector<16xi32>], vector<16xf32>,
      %parallel_loop3A_124 = arith.constant 80 : i32
      %parallel_loop3A_125 = arith.addi %parallel_loop3A_79, %parallel_loop3A_124 : i32
      %parallel_loop3A_126 = arith.index_cast %parallel_loop3A_125 : i32 to index
      %parallel_loop3A_127 = tpu.vector_load %arg19[%parallel_loop3A_126] {strides = array<i32>} : memref<51200xf32, #tpu.memory_space<vmem>>, vector<16xf32>,
      tpu.vector_store %arg19[%parallel_loop3A_126], %parallel_loop3A_123 {strides = array<i32>} : memref<51200xf32, #tpu.memory_space<vmem>>, vector<16xf32>,
      %parallel_loop3A_128 = arith.constant 96 : i32
      %parallel_loop3A_129 = vector.broadcast %parallel_loop3A_128 : i32 to vector<16xi32>
      %parallel_loop3A_130 = arith.addi %parallel_loop3A_77, %parallel_loop3A_129 : vector<16xi32>
      %parallel_loop3A_131 = tpu.vector_load_idx %arg10[%parallel_loop3A_130] : memref<7680xf32, #tpu.memory_space<vmem>>[vector<16xi32>], vector<16xf32>,
      %parallel_loop3A_132 = arith.constant 96 : i32
      %parallel_loop3A_133 = arith.addi %parallel_loop3A_79, %parallel_loop3A_132 : i32
      %parallel_loop3A_134 = arith.index_cast %parallel_loop3A_133 : i32 to index
      %parallel_loop3A_135 = tpu.vector_load %arg19[%parallel_loop3A_134] {strides = array<i32>} : memref<51200xf32, #tpu.memory_space<vmem>>, vector<16xf32>,
      tpu.vector_store %arg19[%parallel_loop3A_134], %parallel_loop3A_131 {strides = array<i32>} : memref<51200xf32, #tpu.memory_space<vmem>>, vector<16xf32>,
      %parallel_loop3A_136 = arith.constant 112 : i32
      %parallel_loop3A_137 = vector.broadcast %parallel_loop3A_136 : i32 to vector<16xi32>
      %parallel_loop3A_138 = arith.addi %parallel_loop3A_77, %parallel_loop3A_137 : vector<16xi32>
      %parallel_loop3A_139 = tpu.vector_load_idx %arg10[%parallel_loop3A_138] : memref<7680xf32, #tpu.memory_space<vmem>>[vector<16xi32>], vector<16xf32>,
      %parallel_loop3A_140 = arith.constant 112 : i32
      %parallel_loop3A_141 = arith.addi %parallel_loop3A_79, %parallel_loop3A_140 : i32
      %parallel_loop3A_142 = arith.index_cast %parallel_loop3A_141 : i32 to index
      %parallel_loop3A_143 = tpu.vector_load %arg19[%parallel_loop3A_142] {strides = array<i32>} : memref<51200xf32, #tpu.memory_space<vmem>>, vector<16xf32>,
      tpu.vector_store %arg19[%parallel_loop3A_142], %parallel_loop3A_139 {strides = array<i32>} : memref<51200xf32, #tpu.memory_space<vmem>>, vector<16xf32>,
    } {sc.loop_unroll_factor = 2 : i64, sc.parallel_access}
    %add3A_60 = arith.constant 9600 : i32
    %add3A_61 = arith.addi %mul3A_2, %add3A_60 : i32
    %mul3A_62 = arith.constant 128 : i32
    %mul3A_63 = arith.muli %add3A_61, %mul3A_62 : i32
    %dma_start3A_64 = tpu.memref_slice %arg6[%mul3A_63] : memref<40960000xf32, #tpu.memory_space<hbm>> -> memref<51200xf32, #tpu.memory_space<hbm>>
    %dma_start3A_65 = tpu.memref_slice %arg6[%mul3A_63] : memref<40960000xf32, #tpu.memory_space<hbm>> -> memref<51200xf32, #tpu.memory_space<hbm>>
    tpu.enqueue_dma source(%arg19 : memref<51200xf32, #tpu.memory_space<vmem>>) target(%dma_start3A_65 : memref<51200xf32, #tpu.memory_space<hbm>>) target_semaphore(%arg23 : memref<!tpu.dma_semaphore, #tpu.memory_space<semaphore_mem>>)
    %dma_wait3A_66 = arith.constant 0 : i32
    %dma_wait3A_67 = tpu.memref_slice %arg6[%dma_wait3A_66] : memref<40960000xf32, #tpu.memory_space<hbm>> -> memref<51200xf32, #tpu.memory_space<hbm>>
    %dma_wait3A_68 = arith.constant 0 : i32
    %dma_wait3A_69 = tpu.memref_slice %arg6[%dma_wait3A_68] : memref<40960000xf32, #tpu.memory_space<hbm>> -> memref<51200xf32, #tpu.memory_space<hbm>>
    tpu.wait_dma2 semaphore(%arg23 : memref<!tpu.dma_semaphore, #tpu.memory_space<semaphore_mem>>) src(%arg19 : memref<51200xf32, #tpu.memory_space<vmem>>) dst(%dma_wait3A_69 : memref<51200xf32, #tpu.memory_space<hbm>>)
    %dma_wait3A_70 = arith.constant 0 : i32
    %dma_wait3A_71 = tpu.memref_slice %arg6[%dma_wait3A_70] : memref<40960000xf32, #tpu.memory_space<hbm>> -> memref<51200xf32, #tpu.memory_space<hbm>>
    %dma_wait3A_72 = arith.constant 0 : i32
    %dma_wait3A_73 = tpu.memref_slice %arg6[%dma_wait3A_72] : memref<40960000xf32, #tpu.memory_space<hbm>> -> memref<51200xf32, #tpu.memory_space<hbm>>
    tpu.wait_dma2 semaphore(%arg24 : memref<!tpu.dma_semaphore, #tpu.memory_space<semaphore_mem>>) src(%arg20 : memref<51200xf32, #tpu.memory_space<vmem>>) dst(%dma_wait3A_73 : memref<51200xf32, #tpu.memory_space<hbm>>)
    return
  }
}

</mosaic_0001>

<sc_bundles>
// kernel: kernel.3.cloned.1.call-start
scs
__scs_entry_jumppad:
0x0: {  	(pc) =	sbr.rel $0x88, $3  }
0x1: {  	(tag) =	ssettag $0x0;
	lr =	simm.s32 $0x1  }
0x2: {  	[smem:$0x3F9D] =	sst lr;
	_ =	strace $0xD0000000  }
0x3: {  	_ = 	snop  }
0x4: {  	_ = 	snop  }
0x5: {  	_ = 	snop  }
0x6: {  	_ = 	snop  }
0x7: {  	_ = 	snop  }
__scs_overlays_trampoline_lowered:
0x8: {  	[smem:$0x3FAC] =	sst s0  }
0x9: {  	[smem:$0x3FAD] =	sst s1  }
0xa: {  	[smem:$0x3FAE] =	sst s2  }
0xb: {  	[smem:$0x3FAF] =	sst s3  }
0xc: {  	[smem:$0x3FB0] =	sst s4  }
0xd: {  	[smem:$0x3FB1] =	sst s5  }
0xe: {  	[smem:$0x3FB2] =	sst s6  }
0xf: {  	[smem:$0x3FB3] =	sst s7  }
0x10: {  	[smem:$0x3FB4] =	sst s8  }
0x11: {  	[smem:$0x3FB5] =	sst s9;
	s0 =	simm.s32 @!p0 $0x0  }
0x12: {  	s1 =	sld [smem:$0x3F9B];
	s0 =	simm.s32 @p0 $0x1  }
0x13: {  	[smem:$0x3FB6] =	sst s0;
	s0 =	simm.s32 @!p1 $0x0  }
0x14: {  	s2 =	sld [smem:$0x3F9A];
	s0 =	simm.s32 @p1 $0x1  }
0x15: {  	[smem:$0x3FB7] =	sst s0;
	s0 =	simm.s32 @!p2 $0x0  }
0x16: {  	s3 =	sld [smem:$0x3FDB];
	s0 =	simm.s32 @p2 $0x1  }
0x17: {  	s4 =	simm.s32 $0x1BF5;
	[smem:$0x3FB9] =	sst s0  }
0x18: {  	s0 =	sld [smem:$0x3F9C];
	_ =	swait.ge [sflag:s4], $0x0  }
0x19: {  	s7 =	sld [smem:$0x3F9D]  }
0x1a: {  	s8 =	sadd.s32 $0xFFFFE003, lr  }
0x1b: {  	s9 =	sadd.s32 $0xFFFFFEF7, lr;
	s5 =	simm.s32 $0xFFFFFFFF;
	p2 =	slt.u32 s8, $0xFFFFF086  }
0x1c: {  	p1 =	slt.u32 s9, $0xF7A;
	s5 =	simm.s32 @!p2 $0x0  }
0x1d: {  	s5 =	simm.s32 @p1 $0x1;
	p0 =	seq.s32 s7, s2  }
0x1e: {  	s7 =	smul.u32 @!p0 $0xF7A, s2;
	p2 =	seq.s32 @!p0 s5, $0x0  }
0x1f: {  	s9 =	smul.u32 $0xF7A, s1;
	s8 =	simm.s32 @!p0 $0x1BF5;
	p2 =	por !p2, p0  }
0x20: {  	[sflag:s8] =	ssyncset.s32 @!p0 $0xFFFFF086;
	s6 =	sadd.s32 @!p0 s3, s7;
	s7 =	simm.s32 @!p0 $0x108  }
0x21: {  	s3 =	sadd.s32 s3, s9;
	s6 =	sadd.s32 @!p0 $0x88, s6;
	s7 =	simm.s32 @p2 $0x1082  }
0x22: {  	[simem:s7], [sflag:s8] =	dma.local @!p0 [hbm:s6], $0xF7A  }
0x23: {  	s9 =	sor.u32 $0xD0000000, s2;
	s6 =	simm.s32 $0x108;
	_ =	swait.ge @!p0 [sflag:s8], $0x0  }
0x24: {  	s3 =	sadd.s32 $0x88, s3;
	s6 =	simm.s32 @!p1 $0x1082;
	[sflag:s4] =	ssyncset.s32 $0xFFFFF086  }
0x25: {  	[simem:s6], [sflag:s4] =	dma.local [hbm:s3], $0xF7A  }
0x26: {  	[smem:$0x3F9D] =	sst s1;
	(tag) =	ssettag s2;
	_ =	strace s9  }
0x27: {  	s1 =	sld [smem:$0x3FAD]  }
0x28: {  	s2 =	sld [smem:$0x3FAE]  }
0x29: {  	s4 =	sld [smem:$0x3FB0]  }
0x2a: {  	p0 =	seq.s32 s5, $0x0;
	s5 =	sld [smem:$0x3FB1]  }
0x2b: {  	s6 =	sld [smem:$0x3FB2]  }
0x2c: {  	s7 =	sld [smem:$0x3FB3]  }
0x2d: {  	s3 =	simm.s32 $0x108;
	s8 =	sld [smem:$0x3FB4]  }
0x2e: {  	s3 =	simm.s32 @!p0 $0x1082;
	s9 =	sld [smem:$0x3FB5]  }
0x2f: {  	lr =	sadd.s32 s0, s3;
	s0 =	sld [smem:$0x3FAC]  }
0x30: {  	s3 =	sld [smem:$0x3FAF]  }
0x31: {  	[smem:$0x3FB8] =	sst s10  }
0x32: {  	s10 =	sld [smem:$0x3FB6];
	_ =	sdelay $0x3  }
0x33: {  	p0 =	seq.s32 s10, $0x1;
	s10 =	sld [smem:$0x3FB8];
	_ =	sdelay $0x3  }
0x34: {  	[smem:$0x3FB8] =	sst s10  }
0x35: {  	s10 =	sld [smem:$0x3FB7];
	_ =	sdelay $0x3  }
0x36: {  	p1 =	seq.s32 s10, $0x1;
	s10 =	sld [smem:$0x3FB8];
	_ =	sdelay $0x3  }
0x37: {  	[smem:$0x3FB8] =	sst s10  }
0x38: {  	s10 =	sld [smem:$0x3FB9]  }
0x39: {  	_ = 	snop;
	(pc) =	sbr.ind lr, $3  }
0x3a: {  	_ = 	snop  }
0x3b: {  	_ = 	snop  }
0x3c: {  	p2 =	seq.s32 s10, $0x1;
	s10 =	sld [smem:$0x3FB8]  }
0x3d: {  	_ =	shalt  }
0x3e: {  	_ =	shalt  }
0x3f: {  	_ =	shalt  }
0x40: {  	_ =	shalt  }
0x41: {  	_ =	shalt  }
0x42: {  	_ =	shalt  }
0x43: {  	_ =	shalt  }
0x44: {  	_ =	shalt  }
0x45: {  	_ =	shalt  }
0x46: {  	_ =	shalt  }
0x47: {  	_ =	shalt  }
0x48: {  	_ =	shalt  }
0x49: {  	_ =	shalt  }
0x4a: {  	_ =	shalt  }
0x4b: {  	_ =	shalt  }
0x4c: {  	_ =	shalt  }
0x4d: {  	_ =	shalt  }
0x4e: {  	_ =	shalt  }
0x4f: {  	_ =	shalt  }
0x50: {  	_ =	shalt  }
0x51: {  	_ =	shalt  }
0x52: {  	_ =	shalt  }
0x53: {  	_ =	shalt  }
0x54: {  	_ =	shalt  }
0x55: {  	_ =	shalt  }
0x56: {  	_ =	shalt  }
0x57: {  	_ =	shalt  }
0x58: {  	_ =	shalt  }
0x59: {  	_ =	shalt  }
0x5a: {  	_ =	shalt  }
0x5b: {  	_ =	shalt  }
0x5c: {  	_ =	shalt  }
0x5d: {  	_ =	shalt  }
0x5e: {  	_ =	shalt  }
0x5f: {  	_ =	shalt  }
0x60: {  	_ =	shalt  }
0x61: {  	_ =	shalt  }
0x62: {  	_ =	shalt  }
0x63: {  	_ =	shalt  }
0x64: {  	_ =	shalt  }
0x65: {  	_ =	shalt  }
0x66: {  	_ =	shalt  }
0x67: {  	_ =	shalt  }
0x68: {  	_ =	shalt  }
0x69: {  	_ =	shalt  }
0x6a: {  	_ =	shalt  }
0x6b: {  	_ =	shalt  }
0x6c: {  	_ =	shalt  }
0x6d: {  	_ =	shalt  }
0x6e: {  	_ =	shalt  }
0x6f: {  	_ =	shalt  }
0x70: {  	_ =	shalt  }
0x71: {  	_ =	shalt  }
0x72: {  	_ =	shalt  }
0x73: {  	_ =	shalt  }
0x74: {  	_ =	shalt  }
0x75: {  	_ =	shalt  }
0x76: {  	_ =	shalt  }
0x77: {  	_ =	shalt  }
0x78: {  	_ =	shalt  }
0x79: {  	_ =	shalt  }
0x7a: {  	_ =	shalt  }
0x7b: {  	_ =	shalt  }
0x7c: {  	_ =	shalt  }
0x7d: {  	_ =	shalt  }
0x7e: {  	_ =	shalt  }
0x7f: {  	_ =	shalt  }
0x80: {  	_ =	shalt  }
0x81: {  	_ =	shalt  }
0x82: {  	_ =	shalt  }
0x83: {  	_ =	shalt  }
0x84: {  	_ =	shalt  }
0x85: {  	_ =	shalt  }
0x86: {  	_ =	shalt  }
0x87: {  	_ =	shalt  }
.Lfunc_end0:
.L_simem_size_0:
called_computation_lowered:
.L_overlay_start_0:
0x88: {  	s2 =	sld [smem:$0x3FD9]  }
0x89: {  	s3 =	sld [smem:$0x3FFE];
	_ =	sdelay $0x1  }
0x8a: {  	s1 =	srdreg.scid  }
0x8b: {  	s0 =	sand.u32 $0x1, s1  }
0x8c: {  	s17 =	sshll.u32 s0, $0xA;
	s2 =	sadd.s32 s3, s2  }
0x8d: {  	s2 =	sadd.s32 s2, s17  }
0x8e: {  	[smem:$0x3FC4] =	sst s2  }
0x8f: {  	_ = 	snop  }
0x90: {  	s2 =	sld [smem:$0x3FC8]  }
0x91: {  	s18 =	sld [smem:$0x3FC7]  }
0x92: {  	s4 =	sld [smem:$0x3FC6]  }
0x93: {  	s5 =	sld [smem:$0x3FD0];
	(tm) =	ssettm $0x1  }
0x94: {  	s6 =	sld [smem:$0x3FFB];
	_ =	sdelay $0x3  }
0x95: {  	_ =	strace s6  }
0x96: {  	s6 =	sld [smem:$0x3FFC];
	_ =	sdelay $0x3  }
0x97: {  	_ =	strace s6  }
0x98: {  	s6 =	sld [smem:$0x3FFD];
	_ =	sdelay $0x3  }
0x99: {  	_ =	strace s6  }
0x9a: {  	_ =	strace $0x8FFFFFFF  }
0x9b: {  	s19 =	sld [smem:$0x3FDB];
	_ =	sdelay $0x1  }
0x9c: {  	s7 =	simm.s32 $_scs_section_size  }
0x9d: {  	s8 =	simm.s32 $_size__tile_overlayer_lowered;
	s9 =	simm.s32 $_tile_overlayer_lowered  }
0x9e: {  	s22 =	simm.s32 $0x1BFF;
	s21 =	sshll.u32 s9, $0x1;
	s6 =	sadd.s32 s7, s19  }
0x9f: {  	s10 =	simm.s32 $0x0;
	s20 =	sshll.u32 s8, $0x1;
	s8 =	sadd.s32 s21, s6  }
0xa0: {  	[timem:s10], [sflag:s22] =	dma.local [hbm:s8], s20  }
0xa1: {  	_ =	swait.ge [sflag:s22], s20  }
0xa2: {  	s7 =	ssub.s32 $0x0, s20;
	[sflag:s22] =	ssyncset.done $0x0  }
0xa3: {  	[sflag:s22] =	ssyncadd.s32 s7;
	_ =	sdelay $0x1  }
0xa4: {  	s23 =	simm.s32 $0x1B8B  }
0xa5: {  	_ =	swait.ge [sflag:s23], $0x1  }
0xa6: {  	[sflag:s23] =	ssyncset.done $0x0  }
0xa7: {  	s25 =	simm.s32 $0x1B8E;
	s24 =	sld [smem:$0x3FFE];
	[sflag:s23] =	ssyncadd.s32 $0xFFFFFFFF  }
0xa8: {  	s26 =	simm.s32 $execute0_lowered;
	[smem:$0x3FD2] =	sst s25  }
0xa9: {  	s8 =	sshll.u32 s26, $0x1;
	_ =	strace $0x80000046;
	[dreg:$0x1] =	wrdreg $0xFFFFFFFF  }
0xaa: {  	s28 =	simm.s32 $_size_execute0_lowered;
	s6 =	sadd.s32 s6, s8;
	[dreg:$0x0] =	wrdreg $0x0  }
0xab: {  	s8 =	sshll.u32 s28, $0x1;
	[dreg:$0x2] =	wrdreg s6  }
0xac: {  	[dreg:$0x3] =	wrdreg s8  }
0xad: {  	[dreg:$0x4] =	wrdreg $0xC0  }
0xae: {  	_ =	task [dreg:s10], $0x5FFFF  }
0xaf: {  	[dreg:$0x1] =	wrdreg $0xFFFFFFFF  }
0xb0: {  	[dreg:$0x0] =	wrdreg $0x60  }
0xb1: {  	[dreg:$0x2] =	wrdreg s24  }
0xb2: {  	[dreg:$0x3] =	wrdreg s2  }
0xb3: {  	[dreg:$0x4] =	wrdreg s18  }
0xb4: {  	[dreg:$0x5] =	wrdreg s4  }
0xb5: {  	[dreg:$0x6] =	wrdreg s5  }
0xb6: {  	[dreg:$0x7] =	wrdreg $0x9  }
0xb7: {  	_ =	task.clear_ibuf [dreg:s10], $0x8FFFF;
	_ =	strace $0x90000046  }
0xb8: {  	s29 =	simm.s32 $0x9;
	_ =	strace $0x80000048  }
0xb9: {  	_ =	swait.ge [sflag:s29], $0x1  }
0xba: {  	[sflag:s29] =	ssyncadd.s32 $0xFFFFFFFF  }
0xbb: {  	_ =	strace $0x90000048  }
0xbc: {  	_ =	sfence  }
0xbd: {  	s30 =	sld [smem:$0x0];
	_ =	sdelay $0x2  }
0xbe: {  	s31 =	sshll.u32 s1, $0xD;
	s1 =	sshrl.u32 s1, $0x2  }
0xbf: {  	s3 =	sand.u32 $0x4000, s31;
	s1 =	sadd.s32 s1, s30  }
0xc0: {  	s0 =	sor.u32 s3, s0;
	s1 =	sshll.u32 s1, $0x11  }
0xc1: {  	s0 =	sor.u32 s1, s0  }
0xc2: {  	s0 =	sadd.s32 $0x8F2B, s0  }
0xc3: {  	[sflag:s0] =	ssyncadd.remote.s32 $0x1  }
0xc4: {  	_ =	sfence.sel $0xFFFF  }
0xc5: {  	[dreg:$0x0] =	wrdreg $0xFFFFFFFF;
	(pc) =	sbr.abs _section_cstart, $3  }
0xc6: {  	[dreg:$0x1] =	wrdreg $0xFFFFFFFF  }
0xc7: {  	_ =	task.clear_ibuf [dreg:s10], $0x2FFFF;
	_ =	strace $0x9FFFFFFF  }
0xc8: {  	(tm) =	ssettm $0x7FFFFFFF  }
0xc9: {  	_ =	shalt  }
tec
execute0_lowered:
.L_overlay_start_1:
0x0: {  	(tag) =	ssettag $0x1  }
0x1: {  	s0 =	rddreg [dreg:$0x0]  }
0x2: {  	s1 =	srdreg.scid;
	s2 =	stileid.u32  }
0x3: {  	s5 =	rddreg [dreg:$0x4];
	s6 =	simm.s32 $0x0;
	s20 =	simm.s32 $0x2700  }
0x4: {  	s21 =	simm.s32 $0x2B00;
	s30 =	simm.s32 $0x900;
	s31 =	simm.s32 $0x1  }
0x5: {  	s4 =	simm.s32 $0xFF00;
	s1 =	sand.u32 $0x1, s1;
	s2 =	sshll.u32 s2, $0x1  }
0x6: {  	[smem:$0x7FF] =	sst s6;
	s2 =	sor.u32 s1, s2;
	s1 =	ssub.s32 $0x2, s1  }
0x7: {  	s8 =	sadd.s32 $0x400, s0;
	s7 =	smul.u32 $0x2710, s2;
	s22 =	sshrl.u32 s1, $0x1  }
0x8: {  	_ =	strace $0x80000047;
	s2 =	smul.u32 $0x138800, s2;
	s0 =	ssub.s32 s1, s22  }
0x9: {  	s22 =	simm.s32 $0x2F00;
	s23 =	sshrl.u32 s7, $0x3;
	s9 =	sadd.s32 $0x190, s7  }
0xa: {  	s29 =	sshrl.u32 s2, $0x3;
	s16 =	sadd.s32 $0x320, s7;
	s10 =	sadd.s32 s8, s23  }
0xb: {  	s17 =	sadd.s32 $0x4B0, s7;
	s19 =	smax.u32 s0, $0x1;
	s3 =	sadd.s32 $0x9C40, s10  }
0xc: {  	s24 =	sshrl.u32 s9, $0x3;
	s25 =	sadd.s32 $0x13880, s10;
	[dreg:$0x6] =	wrdreg s3  }
0xd: {  	s0 =	simm.s32 $0x3700;
	s1 =	sadd.s32 s8, s24;
	[dreg:$0x7] =	wrdreg s25  }
0xe: {  	s2 =	simm.s32 $0x3500;
	s26 =	sadd.s32 $0x9C72, s10;
	[dreg:$0x8] =	wrdreg s1  }
0xf: {  	v0 =	vlaneseq.u32;
	s23 =	simm.s32 $0x3;
	s28 =	sadd.s32 $0x138B2, s10;
	[dreg:$0x9] =	wrdreg s26  }
0x10: {  	v1 =	vor.u32 $0x10, v0;
	s24 =	simm.s32 $0x4;
	[dreg:$0xa] =	wrdreg s28;
	s1 =	sadd.s32 s5, s29  }
0x11: {  	v2 =	vor.u32 $0x20, v0;
	v3 =	vor.u32 $0x30, v0;
	v4 =	vor.u32 $0x40, v0;
	s26 =	simm.s32 $0x5;
	s3 =	simm.s32 $0x3300;
	s1 =	sadd.s32 $0x25800, s1  }
0x12: {  	v5 =	vor.u32 $0x50, v0;
	v6 =	vor.u32 $0x60, v0;
	v7 =	vor.u32 $0x70, v0;
	s25 =	simm.s32 $0x0;
	[dreg:$0xb] =	wrdreg s1;
	s1 =	simm.s32 $0x2  }
.LBB2_1:
0x13: {  	[tilespmem:s20], [sflag:$0x1] =	stream.linear.gather [hbm4b:s10+s6], $0x190, $0x38;
	[tilespmem:$0x1C700] =	vst v63  }
0x14: {  	s11 =	rddreg [dreg:$0x6]  }
0x15: {  	[tilespmem:s21], [sflag:$0x1] =	stream.linear.gather [hbm4b:s11+s6], $0x190, $0x38;
	[tilespmem:$0x1C700] =	vst v63  }
0x16: {  	s28 =	rddreg [dreg:$0x7]  }
0x17: {  	[tilespmem:s22], [sflag:$0x1] =	stream.linear.gather [hbm4b:s28+s6], $0x190, $0x38;
	[tilespmem:$0x1C700] =	vst v63  }
0x18: {  	s29 =	rddreg [dreg:$0x8];
	s12 =	simm.s32 $0x2900  }
0x19: {  	[tilespmem:s12], [sflag:$0x2] =	stream.linear.gather [hbm4b:s29+s6], $0x190, $0x38;
	[tilespmem:$0x1C700] =	vst v63  }
0x1a: {  	s13 =	simm.s32 $0x2D00;
	s12 =	rddreg [dreg:$0x9]  }
0x1b: {  	[tilespmem:s13], [sflag:$0x2] =	stream.linear.gather [hbm4b:s12+s6], $0x190, $0x38;
	[tilespmem:$0x1C700] =	vst v63  }
0x1c: {  	s14 =	rddreg [dreg:$0xa];
	s15 =	simm.s32 $0x3100  }
0x1d: {  	[tilespmem:s15], [sflag:$0x2] =	stream.linear.gather [hbm4b:s14+s6], $0x190, $0x38;
	[tilespmem:$0x1C700] =	vst v63  }
0x1e: {  	s18 =	rddreg [dreg:$0x1]  }
0x1f: {  	[tilespmem:s6], [sflag:$0x5] =	stream.linear.gather [hbm4b:s18+s6], $0x280, $0x38;
	[tilespmem:$0x1C700] =	vst v63  }
0x20: {  	_ =	swait.ge [sflag:s26], $0x280  }
0x21: {  	[sflag:s26] =	ssyncset.done $0x0  }
0x22: {  	[sflag:s26] =	ssyncadd.s32 $0xFFFFFD80  }
0x23: {  	s28 =	smul.u32 $0xAB, s6;
	s13 =	simm.s32 $0x400;
	s29 =	rddreg [dreg:$0x2]  }
0x24: {  	[tilespmem:s13], [sflag:$0x5] =	stream.linear.gather [hbm4b:s29+s6], $0x300, $0x38;
	[tilespmem:$0x1C700] =	vst v63  }
0x25: {  	_ =	swait.ge [sflag:s26], $0x300  }
0x26: {  	s14 =	sshrl.u32 s28, $0xB;
	[sflag:s26] =	ssyncset.done $0x0  }
0x27: {  	s12 =	sand.u32 $0x1F, s14;
	[sflag:s26] =	ssyncadd.s32 $0xFFFFFD00  }
0x28: {  	s14 =	simm.s32 $0x800;
	s12 =	smul.u32 $0xC, s12;
	s15 =	rddreg [dreg:$0x3]  }
0x29: {  	[tilespmem:s14], [sflag:$0x5] =	stream.linear.gather [hbm4b:s15+s6], $0x100, $0x38;
	[tilespmem:$0x1C700] =	vst v63  }
0x2a: {  	s12 =	ssub.s32 $0x0, s12;
	_ =	swait.ge [sflag:s26], $0x100  }
0x2b: {  	s18 =	sshll.u32 s12, $0x6;
	[sflag:s26] =	ssyncset.done $0x0  }
0x2c: {  	s11 =	sshrl.u32 s28, $0x4;
	s15 =	sand.u32 $0x380, s18;
	[sflag:s26] =	ssyncadd.s32 $0xFFFFFF00  }
0x2d: {  	v8 =	vmov s6;
	s28 =	sand.u32 $0xF80, s11;
	v9 =	vld [tilespmem:s15+$0x400]  }
0x2e: {  	v8 =	vshrl.u32 v8, $0x7;
	s29 =	sshll.u32 s12, $0x7;
	v10 =	vld [tilespmem:s28+$0x0]  }
0x2f: {  	v8 =	vshll.u32 v8, $0x7;
	s11 =	sand.u32 $0x80, s29  }
0x30: {  	v8 =	vbroadcast v8, $0x0;
	v11 =	vld [tilespmem:s11+$0x800];
	_ =	sdelay $0x1  }
0x31: {  	v12 =	vor.u32 v0, v8  }
0x32: {  	v9 =	vadd.f32 v9, v10;
	_ =	sdelay $0x1  }
0x33: {  	v9 =	vadd.f32 v11, v9;
	_ =	sdelay $0x1  }
0x34: {  	[tilespmem:v12+s30+$0x0] =	vst.idx.msk $0xffff, v9  }
0x35: {  	v9 =	vld [tilespmem:s28+$0x10]  }
0x36: {  	v10 =	vld [tilespmem:s15+$0x410];
	_ =	sdelay $0x1  }
0x37: {  	v11 =	vld [tilespmem:s11+$0x810];
	_ =	sdelay $0x1  }
0x38: {  	v58 =	vor.u32 v1, v8  }
0x39: {  	v9 =	vadd.f32 v10, v9;
	_ =	sdelay $0x1  }
0x3a: {  	v9 =	vadd.f32 v11, v9;
	_ =	sdelay $0x1  }
0x3b: {  	[tilespmem:v58+s30+$0x0] =	vst.idx.msk $0xffff, v9  }
0x3c: {  	v9 =	vld [tilespmem:s28+$0x20]  }
0x3d: {  	v10 =	vld [tilespmem:s15+$0x420];
	_ =	sdelay $0x1  }
0x3e: {  	v11 =	vld [tilespmem:s11+$0x820];
	_ =	sdelay $0x1  }
0x3f: {  	v59 =	vor.u32 v2, v8  }
0x40: {  	v9 =	vadd.f32 v10, v9;
	_ =	sdelay $0x1  }
0x41: {  	v9 =	vadd.f32 v11, v9;
	_ =	sdelay $0x1  }
0x42: {  	[tilespmem:v59+s30+$0x0] =	vst.idx.msk $0xffff, v9  }
0x43: {  	v9 =	vld [tilespmem:s28+$0x30]  }
0x44: {  	v10 =	vld [tilespmem:s15+$0x430];
	_ =	sdelay $0x1  }
0x45: {  	v11 =	vld [tilespmem:s11+$0x830];
	_ =	sdelay $0x1  }
0x46: {  	v60 =	vor.u32 v3, v8  }
0x47: {  	v9 =	vadd.f32 v10, v9;
	_ =	sdelay $0x1  }
0x48: {  	v9 =	vadd.f32 v11, v9;
	_ =	sdelay $0x1  }
0x49: {  	[tilespmem:v60+s30+$0x0] =	vst.idx.msk $0xffff, v9  }
0x4a: {  	v9 =	vld [tilespmem:s28+$0x40]  }
0x4b: {  	v10 =	vld [tilespmem:s15+$0x440];
	_ =	sdelay $0x1  }
0x4c: {  	v11 =	vld [tilespmem:s11+$0x840];
	_ =	sdelay $0x1  }
0x4d: {  	v61 =	vor.u32 v4, v8  }
0x4e: {  	v9 =	vadd.f32 v10, v9;
	_ =	sdelay $0x1  }
0x4f: {  	v9 =	vadd.f32 v11, v9;
	_ =	sdelay $0x1  }
0x50: {  	[tilespmem:v61+s30+$0x0] =	vst.idx.msk $0xffff, v9  }
0x51: {  	v9 =	vld [tilespmem:s28+$0x50]  }
0x52: {  	v10 =	vld [tilespmem:s15+$0x450];
	_ =	sdelay $0x1  }
0x53: {  	v11 =	vld [tilespmem:s11+$0x850];
	_ =	sdelay $0x1  }
0x54: {  	v62 =	vor.u32 v5, v8  }
0x55: {  	v9 =	vadd.f32 v10, v9;
	_ =	sdelay $0x1  }
0x56: {  	v9 =	vadd.f32 v11, v9;
	_ =	sdelay $0x1  }
0x57: {  	[tilespmem:v62+s30+$0x0] =	vst.idx.msk $0xffff, v9  }
0x58: {  	v9 =	vld [tilespmem:s28+$0x60]  }
0x59: {  	v10 =	vld [tilespmem:s15+$0x460];
	_ =	sdelay $0x1  }
0x5a: {  	v11 =	vld [tilespmem:s11+$0x860];
	_ =	sdelay $0x1  }
0x5b: {  	v63 =	vor.u32 v6, v8  }
0x5c: {  	v9 =	vadd.f32 v10, v9;
	_ =	sdelay $0x1  }
0x5d: {  	v9 =	vadd.f32 v11, v9;
	_ =	sdelay $0x1  }
0x5e: {  	[tilespmem:v63+s30+$0x0] =	vst.idx.msk $0xffff, v9  }
0x5f: {  	v9 =	vld [tilespmem:s28+$0x70]  }
0x60: {  	s13 =	simm.s32 $0x1;
	s12 =	simm.s32 $0x0;
	s14 =	simm.s32 $0x2;
	v10 =	vld [tilespmem:s15+$0x470]  }
.LBB2_2:
0x61: {  	s15 =	smul.u32 $0xAB, s13  }
0x62: {  	v11 =	vld [tilespmem:s11+$0x870];
	s12 =	sadd.s32 $0x80, s12;
	s11 =	smov.u32 s14;
	s28 =	sadd.s32 $0x1, s14  }
0x63: {  	p0 =	sne.s32 s14, $0x3B  }
0x64: {  	s14 =	sshrl.u32 s15, $0xB;
	s15 =	sshrl.u32 s15, $0x4  }
0x65: {  	v8 =	vor.u32 v7, v8;
	s14 =	sand.u32 $0x1F, s14  }
0x66: {  	s14 =	smul.u32 $0xC, s14;
	v9 =	vadd.f32 v10, v9;
	_ =	sdelay $0x1  }
0x67: {  	s29 =	ssub.s32 s13, s14;
	v9 =	vadd.f32 v11, v9;
	s13 =	smov.u32 s11  }
0x68: {  	s14 =	sand.u32 $0xF80, s15;
	s11 =	sshll.u32 s29, $0x6;
	s15 =	sshll.u32 s29, $0x7  }
0x69: {  	s29 =	sand.u32 $0x380, s11;
	[tilespmem:v8+s30+$0x0] =	vst.idx.msk $0xffff, v9  }
0x6a: {  	v8 =	vmov s12;
	v9 =	vld [tilespmem:s29+$0x400]  }
0x6b: {  	s11 =	sand.u32 $0x80, s15;
	v8 =	vshrl.u32 v8, $0x7;
	v10 =	vld [tilespmem:s14+$0x0]  }
0x6c: {  	v8 =	vshll.u32 v8, $0x7;
	v11 =	vld [tilespmem:s11+$0x800]  }
0x6d: {  	v8 =	vbroadcast v8, $0x0;
	_ =	sdelay $0x1  }
0x6e: {  	v12 =	vor.u32 v0, v8  }
0x6f: {  	v9 =	vadd.f32 v9, v10;
	_ =	sdelay $0x1  }
0x70: {  	v9 =	vadd.f32 v11, v9;
	_ =	sdelay $0x1  }
0x71: {  	[tilespmem:v12+s30+$0x0] =	vst.idx.msk $0xffff, v9  }
0x72: {  	v9 =	vld [tilespmem:s14+$0x10]  }
0x73: {  	v10 =	vld [tilespmem:s29+$0x410];
	_ =	sdelay $0x1  }
0x74: {  	v11 =	vld [tilespmem:s11+$0x810];
	_ =	sdelay $0x1  }
0x75: {  	v12 =	vor.u32 v1, v8  }
0x76: {  	v9 =	vadd.f32 v10, v9;
	_ =	sdelay $0x1  }
0x77: {  	v9 =	vadd.f32 v11, v9;
	_ =	sdelay $0x1  }
0x78: {  	[tilespmem:v12+s30+$0x0] =	vst.idx.msk $0xffff, v9  }
0x79: {  	v9 =	vld [tilespmem:s14+$0x20]  }
0x7a: {  	v10 =	vld [tilespmem:s29+$0x420];
	_ =	sdelay $0x1  }
0x7b: {  	v11 =	vld [tilespmem:s11+$0x820];
	_ =	sdelay $0x1  }
0x7c: {  	v12 =	vor.u32 v2, v8  }
0x7d: {  	v9 =	vadd.f32 v10, v9;
	_ =	sdelay $0x1  }
0x7e: {  	v9 =	vadd.f32 v11, v9;
	_ =	sdelay $0x1  }
0x7f: {  	[tilespmem:v12+s30+$0x0] =	vst.idx.msk $0xffff, v9  }
0x80: {  	v9 =	vld [tilespmem:s14+$0x30]  }
0x81: {  	v10 =	vld [tilespmem:s29+$0x430]  }
0x82: {  	v11 =	vld [tilespmem:s11+$0x830];
	_ =	sdelay $0x2  }
0x83: {  	v12 =	vor.u32 v3, v8  }
0x84: {  	v9 =	vadd.f32 v10, v9;
	_ =	sdelay $0x1  }
0x85: {  	v9 =	vadd.f32 v11, v9;
	_ =	sdelay $0x1  }
0x86: {  	[tilespmem:v12+s30+$0x0] =	vst.idx.msk $0xffff, v9  }
0x87: {  	v9 =	vld [tilespmem:s14+$0x40]  }
0x88: {  	v10 =	vld [tilespmem:s29+$0x440];
	_ =	sdelay $0x1  }
0x89: {  	v11 =	vld [tilespmem:s11+$0x840];
	_ =	sdelay $0x1  }
0x8a: {  	v12 =	vor.u32 v4, v8  }
0x8b: {  	v9 =	vadd.f32 v10, v9;
	_ =	sdelay $0x1  }
0x8c: {  	v9 =	vadd.f32 v11, v9;
	_ =	sdelay $0x1  }
0x8d: {  	[tilespmem:v12+s30+$0x0] =	vst.idx.msk $0xffff, v9  }
0x8e: {  	v9 =	vld [tilespmem:s14+$0x50]  }
0x8f: {  	v10 =	vld [tilespmem:s29+$0x450]  }
0x90: {  	v11 =	vld [tilespmem:s11+$0x850];
	_ =	sdelay $0x2  }
0x91: {  	v12 =	vor.u32 v5, v8  }
0x92: {  	v9 =	vadd.f32 v10, v9;
	_ =	sdelay $0x1  }
0x93: {  	v9 =	vadd.f32 v11, v9;
	_ =	sdelay $0x1  }
0x94: {  	[tilespmem:v12+s30+$0x0] =	vst.idx.msk $0xffff, v9  }
0x95: {  	v9 =	vld [tilespmem:s14+$0x60]  }
0x96: {  	v10 =	vld [tilespmem:s29+$0x460]  }
0x97: {  	v11 =	vld [tilespmem:s11+$0x860];
	_ =	sdelay $0x2  }
0x98: {  	v12 =	vor.u32 v6, v8  }
0x99: {  	v9 =	vadd.f32 v10, v9;
	_ =	sdelay $0x1  }
.Ltmp0:
0x9a: {  	v9 =	vadd.f32 v11, v9;
	(pc) =	sbr.rel @p0 .LBB2_2-.Ltmp0, $4  }
0x9b: {  	_ = 	snop  }
0x9c: {  	[tilespmem:v12+s30+$0x0] =	vst.idx.msk $0xffff, v9  }
0x9d: {  	v9 =	vld [tilespmem:s14+$0x70]  }
0x9e: {  	s14 =	smov.u32 s28;
	v10 =	vld [tilespmem:s29+$0x470]  }
0x9f: {  	s14 =	smul.u32 $0xAB, s13  }
0xa0: {  	v11 =	vld [tilespmem:s11+$0x870]  }
0xa1: {  	s29 =	sshrl.u32 s14, $0xB  }
0xa2: {  	v8 =	vor.u32 v7, v8;
	s11 =	sand.u32 $0x1F, s29  }
0xa3: {  	s11 =	smul.u32 $0xC, s11;
	v9 =	vadd.f32 v10, v9;
	_ =	sdelay $0x1  }
0xa4: {  	s11 =	ssub.s32 s13, s11;
	v9 =	vadd.f32 v11, v9  }
0xa5: {  	s13 =	sshll.u32 s11, $0x6  }
0xa6: {  	s12 =	sadd.s32 $0x80, s12;
	s14 =	sshrl.u32 s14, $0x4;
	s13 =	sand.u32 $0x380, s13;
	[tilespmem:v8+s30+$0x0] =	vst.idx.msk $0xffff, v9  }
0xa7: {  	v41 =	vmov s12;
	s14 =	sand.u32 $0xF80, s14;
	v8 =	vld [tilespmem:s13+$0x400]  }
0xa8: {  	s11 =	sshll.u32 s11, $0x7;
	v9 =	vshrl.u32 v41, $0x7;
	v42 =	vld [tilespmem:s14+$0x0]  }
0xa9: {  	s11 =	sand.u32 $0x80, s11;
	v9 =	vshll.u32 v9, $0x7  }
0xaa: {  	v43 =	vld [tilespmem:s11+$0x800];
	v9 =	vbroadcast v9, $0x0;
	_ =	sdelay $0x1  }
0xab: {  	v12 =	vor.u32 v0, v9  }
0xac: {  	v8 =	vadd.f32 v8, v42;
	_ =	sdelay $0x1  }
0xad: {  	v8 =	vadd.f32 v43, v8;
	_ =	sdelay $0x1  }
0xae: {  	[tilespmem:v12+s30+$0x0] =	vst.idx.msk $0xffff, v8  }
0xaf: {  	v8 =	vld [tilespmem:s14+$0x10]  }
0xb0: {  	v44 =	vld [tilespmem:s13+$0x410];
	_ =	sdelay $0x1  }
0xb1: {  	v45 =	vld [tilespmem:s11+$0x810];
	_ =	sdelay $0x1  }
0xb2: {  	v46 =	vor.u32 v1, v9  }
0xb3: {  	v8 =	vadd.f32 v44, v8;
	_ =	sdelay $0x1  }
0xb4: {  	v8 =	vadd.f32 v45, v8;
	_ =	sdelay $0x1  }
0xb5: {  	[tilespmem:v46+s30+$0x0] =	vst.idx.msk $0xffff, v8  }
0xb6: {  	v8 =	vld [tilespmem:s14+$0x20]  }
0xb7: {  	v47 =	vld [tilespmem:s13+$0x420];
	_ =	sdelay $0x1  }
0xb8: {  	v48 =	vld [tilespmem:s11+$0x820];
	_ =	sdelay $0x1  }
0xb9: {  	v49 =	vor.u32 v2, v9  }
0xba: {  	v8 =	vadd.f32 v47, v8;
	_ =	sdelay $0x1  }
0xbb: {  	v8 =	vadd.f32 v48, v8;
	_ =	sdelay $0x1  }
0xbc: {  	[tilespmem:v49+s30+$0x0] =	vst.idx.msk $0xffff, v8  }
0xbd: {  	v8 =	vld [tilespmem:s14+$0x30]  }
0xbe: {  	v50 =	vld [tilespmem:s13+$0x430];
	_ =	sdelay $0x1  }
0xbf: {  	v51 =	vld [tilespmem:s11+$0x830];
	_ =	sdelay $0x1  }
0xc0: {  	v52 =	vor.u32 v3, v9  }
0xc1: {  	v8 =	vadd.f32 v50, v8;
	_ =	sdelay $0x1  }
0xc2: {  	v8 =	vadd.f32 v51, v8;
	_ =	sdelay $0x1  }
0xc3: {  	[tilespmem:v52+s30+$0x0] =	vst.idx.msk $0xffff, v8  }
0xc4: {  	v8 =	vld [tilespmem:s14+$0x40]  }
0xc5: {  	v53 =	vld [tilespmem:s13+$0x440];
	_ =	sdelay $0x1  }
0xc6: {  	v54 =	vld [tilespmem:s11+$0x840];
	_ =	sdelay $0x1  }
0xc7: {  	v55 =	vor.u32 v4, v9  }
0xc8: {  	v8 =	vadd.f32 v53, v8;
	_ =	sdelay $0x1  }
0xc9: {  	v8 =	vadd.f32 v54, v8;
	_ =	sdelay $0x1  }
0xca: {  	[tilespmem:v55+s30+$0x0] =	vst.idx.msk $0xffff, v8  }
0xcb: {  	v8 =	vld [tilespmem:s14+$0x50]  }
0xcc: {  	v56 =	vld [tilespmem:s13+$0x450];
	_ =	sdelay $0x1  }
0xcd: {  	v57 =	vld [tilespmem:s11+$0x850];
	_ =	sdelay $0x1  }
0xce: {  	v58 =	vor.u32 v5, v9  }
0xcf: {  	v8 =	vadd.f32 v56, v8;
	_ =	sdelay $0x1  }
0xd0: {  	v8 =	vadd.f32 v57, v8;
	_ =	sdelay $0x1  }
0xd1: {  	[tilespmem:v58+s30+$0x0] =	vst.idx.msk $0xffff, v8  }
0xd2: {  	v8 =	vld [tilespmem:s14+$0x60]  }
0xd3: {  	v59 =	vld [tilespmem:s13+$0x460];
	_ =	sdelay $0x1  }
0xd4: {  	v60 =	vld [tilespmem:s11+$0x860];
	_ =	sdelay $0x1  }
0xd5: {  	v61 =	vor.u32 v6, v9  }
0xd6: {  	v8 =	vadd.f32 v59, v8;
	_ =	sdelay $0x1  }
0xd7: {  	v8 =	vadd.f32 v60, v8;
	_ =	sdelay $0x1  }
0xd8: {  	[tilespmem:v61+s30+$0x0] =	vst.idx.msk $0xffff, v8  }
0xd9: {  	v8 =	vld [tilespmem:s14+$0x70]  }
0xda: {  	v62 =	vld [tilespmem:s13+$0x470];
	_ =	sdelay $0x1  }
0xdb: {  	v63 =	vld [tilespmem:s11+$0x870];
	_ =	sdelay $0x1  }
0xdc: {  	v9 =	vor.u32 v7, v9  }
0xdd: {  	v8 =	vadd.f32 v62, v8;
	_ =	sdelay $0x1  }
0xde: {  	v8 =	vadd.f32 v63, v8;
	_ =	sdelay $0x1  }
0xdf: {  	s28 =	simm.s32 $0x0;
	[tilespmem:v9+s30+$0x0] =	vst.idx.msk $0xffff, v8  }
.LBB2_4:
0xe0: {  	_ =	swait.ge [sflag:s31], $0x190  }
0xe1: {  	[sflag:s31] =	ssyncset.done $0x0  }
0xe2: {  	[sflag:s31] =	ssyncadd.s32 $0xFFFFFE70  }
0xe3: {  	_ =	swait.ge [sflag:s31], $0x190  }
0xe4: {  	[sflag:s31] =	ssyncset.done $0x0  }
0xe5: {  	[sflag:s31] =	ssyncadd.s32 $0xFFFFFE70  }
0xe6: {  	_ =	swait.ge [sflag:s31], $0x190  }
0xe7: {  	[sflag:s31] =	ssyncset.done $0x0  }
0xe8: {  	s11 =	simm.s32 $0x0;
	p0 =	por $0x1, $0x1;
	[sflag:s31] =	ssyncadd.s32 $0xFFFFFE70  }
.Ltmp1:
0xe9: {  	v8 =	vld [tilespmem:s11+$0x2700];
	(pc) =	sbr.rel @!p0 .LBB2_6-.Ltmp1, $3  }
0xea: {  	v10 =	vld [tilespmem:s11+$0x2B00];
	_ =	sdelay $0x1  }
0xeb: {  	v9 =	vld [tilespmem:s11+$0x2F00]  }
0xec: {  	s12 =	simm.s32 $0x40  }
.LBB2_5:
0xed: {  	s13 =	sshra.s32 s12, $0x2;
	p0 =	sne.s32 s12, $0x600;
	s12 =	sadd.s32 $0x40, s12;
	v11 =	vmul.u32 $0xC, v8  }
.Ltmp2:
0xee: {  	v8 =	vld [tilespmem:s13+$0x2700];
	v12 =	vshll.u32 v10, $0x1;
	(pc) =	sbr.rel @p0 .LBB2_5-.Ltmp2, $4  }
0xef: {  	v10 =	vld [tilespmem:s13+$0x2B00];
	v11 =	vadd.s32 v11, v12  }
0xf0: {  	v11 =	vadd.s32 v9, v11  }
0xf1: {  	v9 =	vld [tilespmem:s13+$0x2F00];
	v11 =	vshll.u32 v11, $0x7  }
0xf2: {  	[tilespmem:s11+$0x3300] =	vst v11;
	s11 =	smov.u32 s13  }
.LBB2_6:
0xf3: {  	v8 =	vmul.u32 $0xC, v8  }
0xf4: {  	s29 =	smul.u32 $0x320, s28;
	v10 =	vshll.u32 v10, $0x1  }
0xf5: {  	v8 =	vadd.s32 v8, v10  }
0xf6: {  	s12 =	sadd.s32 s29, s16;
	v8 =	vadd.s32 v9, v8  }
0xf7: {  	s12 =	sshrl.u32 s12, $0x3;
	v8 =	vshll.u32 v8, $0x7  }
0xf8: {  	s13 =	simm.s32 $0x0;
	s14 =	sadd.s32 s8, s12;
	[tilespmem:s11+$0x3300] =	vst v8  }
0xf9: {  	[tilespmem:s20], [sflag:$0x1] =	stream.linear.gather [hbm4b:s14+s6], $0x190, $0x38;
	[tilespmem:$0x1C700] =	vst v63  }
0xfa: {  	s12 =	sadd.s32 $0x9C40, s14;
	v8 =	vmov s13  }
0xfb: {  	v8 =	vand.u32 $0xFFFFFFFE, v8;
	[tilespmem:s21], [sflag:$0x1] =	stream.linear.gather [hbm4b:s12+s6], $0x190, $0x38;
	[tilespmem:$0x1C700] =	vst v63  }
0xfc: {  	p0 =	seq.s32 s28, $0x0;
	s11 =	sadd.s32 $0x13880, s14;
	v8 =	vbroadcast v8, $0x0  }
0xfd: {  	[tilespmem:s22], [sflag:$0x1] =	stream.linear.gather [hbm4b:s11+s6], $0x190, $0x38;
	[tilespmem:$0x1C700] =	vst v63  }
0xfe: {  	s11 =	simm.s32 @!p0 $0x3  }
0xff: {  	s15 =	simm.s32 $0x1;
	_ =	swait.ge @!p0 [sflag:s11], $0xC800  }
0x100: {  	v9 =	vmov s15;
	[sflag:s11] =	ssyncset.done @!p0 $0x0  }
0x101: {  	[sflag:s11] =	ssyncadd.s32 @!p0 $0xFFFF3800  }
0x102: {  	v15 =	vld.idx.msk [tilespmem:v8+s3+$0x0], $0xffff;
	_ =	sdelay $0x2  }
0x103: {  	v10 =	vld.idx.msk [tilespmem:v9+s3+$0x0], $0xffff;
	_ =	sdelay $0x1  }
0x104: {  	s18 =	simm.s32 $0x2;
	s12 =	simm.s32 $0x3;
	v8 =	vadd.s32 v0, v15  }
0x105: {  	v12 =	vmov s12;
	v9 =	vmov s18  }
0x106: {  	v9 =	vand.u32 $0xFFFFFFFE, v9  }
0x107: {  	v9 =	vbroadcast v9, $0x0;
	v11 =	vadd.s32 v0, v10;
	_ =	sdelay $0x1  }
0x108: {  	v13 =	vld.idx.msk [tilespmem:v8+s30+$0x0], $0xffff  }
0x109: {  	v14 =	vadd.s32 v1, v15;
	v8 =	vld.idx.msk [tilespmem:v12+s3+$0x0], $0xffff;
	_ =	sdelay $0x1  }
0x10a: {  	v11 =	vld.idx.msk [tilespmem:v11+s30+$0x0], $0xffff  }
0x10b: {  	s11 =	simm.s32 $0x3780;
	v9 =	vld.idx.msk [tilespmem:v9+s3+$0x0], $0xffff;
	v12 =	vadd.s32 v1, v10  }
0x10c: {  	[tilespmem:s11+$0xFFFFFF80] =	vst v13  }
0x10d: {  	s13 =	simm.s32 $0x4;
	v16 =	vadd.s32 v0, v8;
	v13 =	vld.idx.msk [tilespmem:v14+s30+$0x0], $0xffff  }
0x10e: {  	v18 =	vmov s13  }
0x10f: {  	v18 =	vand.u32 $0xFFFFFFFE, v18;
	[tilespmem:s11+$0x0] =	vst v11;
	v14 =	vadd.s32 v2, v15  }
0x110: {  	v18 =	vbroadcast v18, $0x0;
	v11 =	vld.idx.msk [tilespmem:v12+s30+$0x0], $0xffff;
	v12 =	vadd.s32 v0, v9;
	_ =	sdelay $0x1  }
0x111: {  	v16 =	vld.idx.msk [tilespmem:v16+s30+$0x0], $0xffff;
	[tilespmem:s11+$0xFFFFFF90] =	vst v13;
	v13 =	vadd.s32 v2, v10  }
0x112: {  	s14 =	simm.s32 $0x5;
	v20 =	vadd.s32 v1, v8  }
0x113: {  	v19 =	vmov s14;
	v14 =	vld.idx.msk [tilespmem:v14+s30+$0x0], $0xffff  }
0x114: {  	v17 =	vadd.s32 v3, v15;
	v21 =	vld.idx.msk [tilespmem:v12+s30+$0x0], $0xffff  }
0x115: {  	s12 =	simm.s32 $0x3880;
	[tilespmem:s11+$0x10] =	vst v11;
	v12 =	vld.idx.msk [tilespmem:v18+s3+$0x0], $0xffff  }
0x116: {  	v22 =	vadd.s32 v1, v9;
	[tilespmem:s12+$0x0] =	vst v16;
	v13 =	vld.idx.msk [tilespmem:v13+s30+$0x0], $0xffff  }
0x117: {  	v16 =	vld.idx.msk [tilespmem:v20+s30+$0x0], $0xffff  }
0x118: {  	v11 =	vld.idx.msk [tilespmem:v19+s3+$0x0], $0xffff;
	[tilespmem:s11+$0xFFFFFFA0] =	vst v14;
	v14 =	vadd.s32 v3, v10  }
0x119: {  	v17 =	vld.idx.msk [tilespmem:v17+s30+$0x0], $0xffff  }
0x11a: {  	v19 =	vadd.s32 v4, v15;
	[tilespmem:s12+$0xFFFFFF80] =	vst v21  }
0x11b: {  	v18 =	vadd.s32 v2, v8;
	[tilespmem:s11+$0x20] =	vst v13;
	v13 =	vld.idx.msk [tilespmem:v22+s30+$0x0], $0xffff  }
0x11c: {  	[tilespmem:s12+$0x10] =	vst v16;
	v16 =	vadd.s32 v0, v12  }
0x11d: {  	v20 =	vadd.s32 v2, v9;
	v14 =	vld.idx.msk [tilespmem:v14+s30+$0x0], $0xffff  }
0x11e: {  	[tilespmem:s11+$0xFFFFFFB0] =	vst v17;
	v17 =	vadd.s32 v0, v11  }
0x11f: {  	v21 =	vadd.s32 v4, v10;
	v19 =	vld.idx.msk [tilespmem:v19+s30+$0x0], $0xffff  }
0x120: {  	s18 =	simm.s32 $0x7;
	v18 =	vld.idx.msk [tilespmem:v18+s30+$0x0], $0xffff;
	[tilespmem:s12+$0xFFFFFF90] =	vst v13;
	v13 =	vadd.s32 v5, v15  }
0x121: {  	s15 =	simm.s32 $0x6;
	v24 =	vmov s18;
	v16 =	vld.idx.msk [tilespmem:v16+s30+$0x0], $0xffff  }
0x122: {  	v23 =	vmov s15;
	[tilespmem:s11+$0x30] =	vst v14;
	v14 =	vld.idx.msk [tilespmem:v20+s30+$0x0], $0xffff;
	v20 =	vadd.s32 v3, v8  }
0x123: {  	v23 =	vand.u32 $0xFFFFFFFE, v23;
	v22 =	vadd.s32 v3, v9;
	v17 =	vld.idx.msk [tilespmem:v17+s30+$0x0], $0xffff  }
0x124: {  	v21 =	vld.idx.msk [tilespmem:v21+s30+$0x0], $0xffff;
	[tilespmem:s11+$0xFFFFFFC0] =	vst v19;
	v19 =	vbroadcast v23, $0x0;
	v23 =	vadd.s32 v1, v11  }
0x125: {  	[tilespmem:s12+$0x20] =	vst v18;
	v18 =	vld.idx.msk [tilespmem:v13+s30+$0x0], $0xffff  }
0x126: {  	v25 =	vadd.s32 v1, v12;
	v13 =	vld.idx.msk [tilespmem:v24+s3+$0x0], $0xffff  }
0x127: {  	s14 =	simm.s32 $0x3980;
	v26 =	vadd.s32 v6, v15;
	v20 =	vld.idx.msk [tilespmem:v20+s30+$0x0], $0xffff;
	[tilespmem:s12+$0xFFFFFFA0] =	vst v14  }
0x128: {  	v24 =	vadd.s32 v4, v8;
	v22 =	vld.idx.msk [tilespmem:v22+s30+$0x0], $0xffff;
	[tilespmem:s14+$0x0] =	vst v17  }
0x129: {  	v17 =	vadd.s32 v4, v9;
	v23 =	vld.idx.msk [tilespmem:v23+s30+$0x0], $0xffff  }
0x12a: {  	v27 =	vadd.s32 v5, v10;
	[tilespmem:s14+$0xFFFFFF80] =	vst v16;
	v14 =	vld.idx.msk [tilespmem:v19+s3+$0x0], $0xffff  }
0x12b: {  	v25 =	vld.idx.msk [tilespmem:v25+s30+$0x0], $0xffff;
	v19 =	vadd.s32 v2, v11;
	[tilespmem:s11+$0xFFFFFFD0] =	vst v18  }
0x12c: {  	v29 =	vadd.s32 v2, v12;
	v28 =	vld.idx.msk [tilespmem:v26+s30+$0x0], $0xffff;
	[tilespmem:s12+$0x30] =	vst v20  }
0x12d: {  	v20 =	vadd.s32 v7, v15;
	[tilespmem:s12+$0xFFFFFFB0] =	vst v22;
	v16 =	vld.idx.msk [tilespmem:v24+s30+$0x0], $0xffff  }
0x12e: {  	[tilespmem:s11+$0x40] =	vst v21;
	v26 =	vadd.s32 v0, v13;
	v18 =	vld.idx.msk [tilespmem:v17+s30+$0x0], $0xffff  }
0x12f: {  	[tilespmem:s14+$0x10] =	vst v23;
	v23 =	vld.idx.msk [tilespmem:v27+s30+$0x0], $0xffff;
	v27 =	vadd.s32 v0, v14  }
0x130: {  	[tilespmem:s14+$0xFFFFFF90] =	vst v25;
	v22 =	vld.idx.msk [tilespmem:v19+s30+$0x0], $0xffff;
	v19 =	vadd.s32 v5, v9  }
0x131: {  	v25 =	vadd.s32 v3, v11;
	v24 =	vld.idx.msk [tilespmem:v29+s30+$0x0], $0xffff;
	[tilespmem:s11+$0xFFFFFFE0] =	vst v28  }
0x132: {  	s15 =	simm.s32 $0x8;
	s13 =	simm.s32 $0x3980;
	v21 =	vadd.s32 v6, v10;
	v15 =	vadd.s32 v3, v12;
	v17 =	vadd.s32 v3, v14;
	v20 =	vld.idx.msk [tilespmem:v20+s30+$0x0], $0xffff  }
.LBB2_7:
0x133: {  	v28 =	vmov s15;
	s18 =	sadd.s32 $0x1, s15;
	p0 =	slt.u32 s15, $0x18E;
	s15 =	sadd.s32 $0x2, s15;
	v26 =	vld.idx.msk [tilespmem:v26+s30+$0x0], $0xffff  }
0x134: {  	v28 =	vand.u32 $0xFFFFFFFE, v28;
	v29 =	vmov s18;
	v27 =	vld.idx.msk [tilespmem:v27+s30+$0x0], $0xffff;
	[tilespmem:s12+$0xFFFFFFC0] =	vst v18  }
0x135: {  	v18 =	vbroadcast v28, $0x0;
	v28 =	vadd.s32 v1, v13;
	[tilespmem:s14+$0x20] =	vst v22;
	v19 =	vld.idx.msk [tilespmem:v19+s30+$0x0], $0xffff  }
0x136: {  	v22 =	vld.idx.msk [tilespmem:v25+s30+$0x0], $0xffff;
	[tilespmem:s11+$0x50] =	vst v23  }
0x137: {  	v23 =	vadd.s32 v1, v14;
	[tilespmem:s14+$0xFFFFFFA0] =	vst v24;
	v21 =	vld.idx.msk [tilespmem:v21+s30+$0x0], $0xffff  }
0x138: {  	v25 =	vadd.s32 v6, v9;
	s14 =	sadd.s32 $0x100, s14;
	v24 =	vld.idx.msk [tilespmem:v15+s30+$0x0], $0xffff;
	[tilespmem:s11+$0xFFFFFFF0] =	vst v20;
	v15 =	vmov v17  }
0x139: {  	v17 =	vadd.s32 v7, v10;
	v10 =	vmovc v8;
	v8 =	vmov v11;
	v11 =	vmov v13;
	[tilespmem:s14+$0x0] =	vst v26;
	v13 =	vld.idx.msk [tilespmem:v29+s3+$0x0], $0xffff  }
0x13a: {  	v26 =	vadd.s32 v4, v12;
	v20 =	vld.idx.msk [tilespmem:v28+s30+$0x0], $0xffff;
	[tilespmem:s12+$0x40] =	vst v16  }
0x13b: {  	v16 =	vadd.s32 v4, v8;
	v28 =	vld.idx.msk [tilespmem:v18+s3+$0x0], $0xffff;
	[tilespmem:s14+$0xFFFFFF80] =	vst v27  }
0x13c: {  	v29 =	vadd.s32 v2, v11;
	v23 =	vld.idx.msk [tilespmem:v23+s30+$0x0], $0xffff;
	[tilespmem:s12+$0xFFFFFFD0] =	vst v19  }
0x13d: {  	v30 =	vld.idx.msk [tilespmem:v25+s30+$0x0], $0xffff;
	v25 =	vadd.s32 v5, v10;
	[tilespmem:s11+$0x60] =	vst v21  }
0x13e: {  	v21 =	vadd.s32 v2, v14;
	[tilespmem:s13+$0xFFFFFFB0] =	vst v24;
	v31 =	vld.idx.msk [tilespmem:v17+s30+$0x0], $0xffff  }
0x13f: {  	v32 =	vadd.s32 v7, v9;
	v9 =	vmov v12;
	v12 =	vmov v14;
	v18 =	vld.idx.msk [tilespmem:v26+s30+$0x0], $0xffff;
	[tilespmem:s13+$0x30] =	vst v22  }
.Ltmp3:
0x140: {  	v26 =	vadd.s32 v0, v13;
	[tilespmem:s14+$0x10] =	vst v20;
	v16 =	vld.idx.msk [tilespmem:v16+s30+$0x0], $0xffff;
	(pc) =	sbr.rel @p0 .LBB2_7-.Ltmp3, $4  }
0x141: {  	v27 =	vadd.s32 v0, v28;
	v17 =	vadd.s32 v3, v28;
	v14 =	vmov v28;
	v22 =	vld.idx.msk [tilespmem:v29+s30+$0x0], $0xffff  }
0x142: {  	v19 =	vadd.s32 v5, v9;
	[tilespmem:s14+$0xFFFFFF90] =	vst v23;
	v23 =	vld.idx.msk [tilespmem:v25+s30+$0x0], $0xffff  }
0x143: {  	v25 =	vadd.s32 v3, v11;
	v24 =	vld.idx.msk [tilespmem:v21+s30+$0x0], $0xffff;
	[tilespmem:s12+$0xFFFFFFE0] =	vst v30  }
0x144: {  	v21 =	vadd.s32 v6, v10;
	v20 =	vld.idx.msk [tilespmem:v32+s30+$0x0], $0xffff;
	[tilespmem:s11+$0x70] =	vst v31;
	s11 =	smov.u32 s12;
	s12 =	smov.u32 s13;
	s13 =	smov.u32 s14  }
0x145: {  	_ =	sdelay $0x3  }
0x146: {  	v27 =	vld.idx.msk [tilespmem:v27+s30+$0x0], $0xffff  }
0x147: {  	v26 =	vld.idx.msk [tilespmem:v26+s30+$0x0], $0xffff;
	v28 =	vadd.s32 v1, v14  }
0x148: {  	v29 =	vadd.s32 v1, v13;
	_ =	sdelay $0x1  }
0x149: {  	s15 =	sadd.s32 $0x100, s14  }
0x14a: {  	[tilespmem:s15+$0xFFFFFF80] =	vst v27  }
0x14b: {  	[tilespmem:s15+$0x0] =	vst v26;
	v34 =	vld.idx.msk [tilespmem:v28+s30+$0x0], $0xffff  }
0x14c: {  	v36 =	vadd.s32 v2, v14;
	v35 =	vld.idx.msk [tilespmem:v29+s30+$0x0], $0xffff  }
0x14d: {  	v37 =	vadd.s32 v2, v13;
	_ =	sdelay $0x2  }
0x14e: {  	[tilespmem:s15+$0xFFFFFF90] =	vst v34  }
0x14f: {  	[tilespmem:s15+$0x10] =	vst v35;
	v26 =	vld.idx.msk [tilespmem:v36+s30+$0x0], $0xffff  }
0x150: {  	[tilespmem:s12+$0xFFFFFFC0] =	vst v18;
	v38 =	vld.idx.msk [tilespmem:v37+s30+$0x0], $0xffff  }
0x151: {  	v39 =	vadd.s32 v3, v13;
	[tilespmem:s12+$0x40] =	vst v16  }
0x152: {  	[tilespmem:s14+$0xFFFFFFA0] =	vst v24  }
0x153: {  	[tilespmem:s14+$0x20] =	vst v22;
	v15 =	vld.idx.msk [tilespmem:v15+s30+$0x0], $0xffff  }
0x154: {  	v41 =	vadd.s32 v4, v12;
	v40 =	vld.idx.msk [tilespmem:v25+s30+$0x0], $0xffff;
	[tilespmem:s15+$0xFFFFFFA0] =	vst v26  }
0x155: {  	v42 =	vadd.s32 v4, v11;
	[tilespmem:s15+$0x20] =	vst v38;
	v17 =	vld.idx.msk [tilespmem:v17+s30+$0x0], $0xffff  }
0x156: {  	v44 =	vadd.s32 v4, v14;
	[tilespmem:s11+$0x50] =	vst v23;
	v43 =	vld.idx.msk [tilespmem:v39+s30+$0x0], $0xffff  }
0x157: {  	v45 =	vadd.s32 v4, v13;
	v19 =	vld.idx.msk [tilespmem:v19+s30+$0x0], $0xffff;
	[tilespmem:s11+$0xFFFFFFF0] =	vst v20  }
0x158: {  	v46 =	vadd.s32 v6, v9;
	v21 =	vld.idx.msk [tilespmem:v21+s30+$0x0], $0xffff;
	[tilespmem:s13+$0xFFFFFFB0] =	vst v15  }
0x159: {  	v47 =	vadd.s32 v5, v8;
	[tilespmem:s13+$0x30] =	vst v40;
	v23 =	vld.idx.msk [tilespmem:v41+s30+$0x0], $0xffff  }
0x15a: {  	v48 =	vadd.s32 v5, v12;
	v18 =	vld.idx.msk [tilespmem:v42+s30+$0x0], $0xffff;
	[tilespmem:s15+$0xFFFFFFB0] =	vst v17  }
0x15b: {  	v49 =	vadd.s32 v5, v11;
	[tilespmem:s15+$0x30] =	vst v43;
	v22 =	vld.idx.msk [tilespmem:v44+s30+$0x0], $0xffff  }
0x15c: {  	v50 =	vadd.s32 v5, v14;
	[tilespmem:s12+$0xFFFFFFD0] =	vst v19;
	v16 =	vld.idx.msk [tilespmem:v45+s30+$0x0], $0xffff  }
0x15d: {  	v52 =	vadd.s32 v5, v13;
	v51 =	vld.idx.msk [tilespmem:v46+s30+$0x0], $0xffff;
	[tilespmem:s11+$0x60] =	vst v21  }
0x15e: {  	v10 =	vadd.s32 v7, v10;
	v15 =	vld.idx.msk [tilespmem:v47+s30+$0x0], $0xffff;
	[tilespmem:s13+$0xFFFFFFC0] =	vst v23  }
0x15f: {  	v53 =	vadd.s32 v6, v8;
	[tilespmem:s13+$0x40] =	vst v18;
	v54 =	vld.idx.msk [tilespmem:v48+s30+$0x0], $0xffff  }
0x160: {  	v55 =	vadd.s32 v6, v12;
	v17 =	vld.idx.msk [tilespmem:v49+s30+$0x0], $0xffff;
	[tilespmem:s15+$0xFFFFFFC0] =	vst v22  }
0x161: {  	v56 =	vadd.s32 v6, v11;
	[tilespmem:s15+$0x40] =	vst v16;
	v19 =	vld.idx.msk [tilespmem:v50+s30+$0x0], $0xffff  }
0x162: {  	v57 =	vadd.s32 v6, v14;
	[tilespmem:s12+$0xFFFFFFE0] =	vst v51;
	v58 =	vld.idx.msk [tilespmem:v52+s30+$0x0], $0xffff  }
0x163: {  	v59 =	vadd.s32 v6, v13;
	v10 =	vld.idx.msk [tilespmem:v10+s30+$0x0], $0xffff;
	[tilespmem:s12+$0x50] =	vst v15  }
0x164: {  	v9 =	vadd.s32 v7, v9;
	v60 =	vld.idx.msk [tilespmem:v53+s30+$0x0], $0xffff;
	[tilespmem:s13+$0xFFFFFFD0] =	vst v54  }
0x165: {  	v8 =	vadd.s32 v7, v8;
	v18 =	vld.idx.msk [tilespmem:v55+s30+$0x0], $0xffff;
	[tilespmem:s13+$0x50] =	vst v17  }
0x166: {  	v61 =	vadd.s32 v7, v12;
	v17 =	vld.idx.msk [tilespmem:v56+s30+$0x0], $0xffff;
	[tilespmem:s15+$0xFFFFFFD0] =	vst v19  }
0x167: {  	v11 =	vadd.s32 v7, v11;
	[tilespmem:s15+$0x50] =	vst v58;
	v16 =	vld.idx.msk [tilespmem:v57+s30+$0x0], $0xffff  }
0x168: {  	[tilespmem:s11+$0x70] =	vst v10;
	v10 =	vadd.s32 v7, v14;
	v62 =	vld.idx.msk [tilespmem:v59+s30+$0x0], $0xffff  }
0x169: {  	v63 =	vadd.s32 v7, v13;
	v9 =	vld.idx.msk [tilespmem:v9+s30+$0x0], $0xffff;
	[tilespmem:s12+$0x60] =	vst v60  }
0x16a: {  	v8 =	vld.idx.msk [tilespmem:v8+s30+$0x0], $0xffff;
	[tilespmem:s13+$0xFFFFFFE0] =	vst v18  }
0x16b: {  	v12 =	vld.idx.msk [tilespmem:v61+s30+$0x0], $0xffff;
	[tilespmem:s13+$0x60] =	vst v17  }
0x16c: {  	v11 =	vld.idx.msk [tilespmem:v11+s30+$0x0], $0xffff;
	[tilespmem:s15+$0xFFFFFFE0] =	vst v16  }
0x16d: {  	[tilespmem:s15+$0x60] =	vst v62;
	v10 =	vld.idx.msk [tilespmem:v10+s30+$0x0], $0xffff  }
0x16e: {  	[tilespmem:s12+$0xFFFFFFF0] =	vst v9;
	v9 =	vld.idx.msk [tilespmem:v63+s30+$0x0], $0xffff  }
0x16f: {  	[tilespmem:s12+$0x70] =	vst v8  }
0x170: {  	[tilespmem:s13+$0xFFFFFFF0] =	vst v12  }
0x171: {  	s14 =	sadd.s32 s7, s29;
	[tilespmem:s13+$0x70] =	vst v11  }
0x172: {  	s11 =	sshll.u32 s14, $0x4;
	[tilespmem:s15+$0xFFFFFFF0] =	vst v10  }
0x173: {  	s18 =	simm.s32 $0x0;
	s11 =	sadd.s32 s5, s11;
	[tilespmem:s15+$0x70] =	vst v9  }
0x174: {  	[hbm4b:s11+s18] =	stream.linear.scatter [tilespmem:s0], [sflag:$0x3], $0xC800, $0x38;
	[tilespmem:$0x1C700] =	vst v63  }
0x175: {  	_ =	swait.ge [sflag:s1], $0x190  }
0x176: {  	[sflag:s1] =	ssyncset.done $0x0  }
0x177: {  	[sflag:s1] =	ssyncadd.s32 $0xFFFFFE70  }
0x178: {  	_ =	swait.ge [sflag:s1], $0x190  }
0x179: {  	[sflag:s1] =	ssyncset.done $0x0  }
0x17a: {  	[sflag:s1] =	ssyncadd.s32 $0xFFFFFE70  }
0x17b: {  	_ =	swait.ge [sflag:s1], $0x190  }
0x17c: {  	[sflag:s1] =	ssyncset.done $0x0  }
0x17d: {  	s11 =	simm.s32 $0x0;
	[sflag:s1] =	ssyncadd.s32 $0xFFFFFE70  }
0x17e: {  	v9 =	vld [tilespmem:s11+$0x2900]  }
0x17f: {  	v10 =	vld [tilespmem:s11+$0x2D00];
	_ =	sdelay $0x1  }
0x180: {  	v8 =	vld [tilespmem:s11+$0x3100]  }
0x181: {  	s12 =	simm.s32 $0x40  }
.LBB2_9:
0x182: {  	s13 =	sshra.s32 s12, $0x2;
	p0 =	sne.s32 s12, $0x600;
	s12 =	sadd.s32 $0x40, s12;
	v11 =	vmul.u32 $0xC, v9  }
.Ltmp4:
0x183: {  	v9 =	vld [tilespmem:s13+$0x2900];
	v12 =	vshll.u32 v10, $0x1;
	(pc) =	sbr.rel @p0 .LBB2_9-.Ltmp4, $4  }
0x184: {  	v10 =	vld [tilespmem:s13+$0x2D00];
	v11 =	vadd.s32 v11, v12  }
0x185: {  	v11 =	vadd.s32 v8, v11  }
0x186: {  	v8 =	vld [tilespmem:s13+$0x3100];
	v11 =	vshll.u32 v11, $0x7  }
0x187: {  	[tilespmem:s11+$0x3500] =	vst v11;
	s11 =	smov.u32 s13  }
0x188: {  	v9 =	vmul.u32 $0xC, v9  }
0x189: {  	v10 =	vshll.u32 v10, $0x1  }
0x18a: {  	p0 =	seq.s32 s28, $0xB;
	v9 =	vadd.s32 v9, v10  }
0x18b: {  	s12 =	sadd.s32 @!p0 s29, s17;
	v8 =	vadd.s32 v8, v9  }
0x18c: {  	s12 =	sshrl.u32 @!p0 s12, $0x3;
	v8 =	vshll.u32 v8, $0x7  }
0x18d: {  	s13 =	simm.s32 @!p0 $0x2900;
	[tilespmem:s11+$0x3500] =	vst v8;
	s11 =	sadd.s32 @!p0 s8, s12;
	s12 =	simm.s32 @!p0 $0x0  }
0x18e: {  	[tilespmem:s13], [sflag:$0x2] =	stream.linear.gather @!p0 [hbm4b:s11+s12], $0x190, $0x38;
	[tilespmem:$0x1C700] =	vst v63  }
0x18f: {  	s14 =	simm.s32 @!p0 $0x2D00;
	s13 =	sadd.s32 @!p0 $0x9C40, s11  }
0x190: {  	[tilespmem:s14], [sflag:$0x2] =	stream.linear.gather @!p0 [hbm4b:s13+s12], $0x190, $0x38;
	[tilespmem:$0x1C700] =	vst v63  }
0x191: {  	s14 =	simm.s32 $0x0  }
0x192: {  	v8 =	vmov s14  }
0x193: {  	v8 =	vand.u32 $0xFFFFFFFE, v8  }
0x194: {  	p1 =	seq.s32 @!p0 s28, $0x0;
	s11 =	sadd.s32 @!p0 $0x13880, s11;
	s13 =	simm.s32 @!p0 $0x3100;
	v8 =	vbroadcast v8, $0x0  }
0x195: {  	[tilespmem:s13], [sflag:$0x2] =	stream.linear.gather @!p0 [hbm4b:s11+s12], $0x190, $0x38;
	[tilespmem:$0x1C700] =	vst v63  }
0x196: {  	p0 =	por p0, !p1  }
0x197: {  	s15 =	simm.s32 $0x1;
	_ =	swait.ge @p0 [sflag:s24], $0xC800  }
0x198: {  	v9 =	vmov s15;
	[sflag:s24] =	ssyncset.done @p0 $0x0  }
0x199: {  	[sflag:s24] =	ssyncadd.s32 @p0 $0xFFFF3800  }
0x19a: {  	v15 =	vld.idx.msk [tilespmem:v8+s2+$0x0], $0xffff;
	_ =	sdelay $0x2  }
0x19b: {  	v10 =	vld.idx.msk [tilespmem:v9+s2+$0x0], $0xffff;
	_ =	sdelay $0x1  }
0x19c: {  	s18 =	simm.s32 $0x2;
	s12 =	simm.s32 $0x3;
	v8 =	vadd.s32 v0, v15  }
0x19d: {  	v12 =	vmov s12;
	v9 =	vmov s18  }
0x19e: {  	v9 =	vand.u32 $0xFFFFFFFE, v9  }
0x19f: {  	v9 =	vbroadcast v9, $0x0;
	v11 =	vadd.s32 v0, v10;
	_ =	sdelay $0x1  }
0x1a0: {  	v13 =	vld.idx.msk [tilespmem:v8+s30+$0x0], $0xffff  }
0x1a1: {  	v14 =	vadd.s32 v1, v15;
	v8 =	vld.idx.msk [tilespmem:v12+s2+$0x0], $0xffff;
	_ =	sdelay $0x1  }
0x1a2: {  	v11 =	vld.idx.msk [tilespmem:v11+s30+$0x0], $0xffff  }
0x1a3: {  	s11 =	simm.s32 $0xFF80;
	v9 =	vld.idx.msk [tilespmem:v9+s2+$0x0], $0xffff;
	v12 =	vadd.s32 v1, v10  }
0x1a4: {  	[tilespmem:s11+$0xFFFFFF80] =	vst v13  }
0x1a5: {  	s13 =	simm.s32 $0x4;
	v16 =	vadd.s32 v0, v8;
	v13 =	vld.idx.msk [tilespmem:v14+s30+$0x0], $0xffff  }
0x1a6: {  	v18 =	vmov s13  }
0x1a7: {  	v18 =	vand.u32 $0xFFFFFFFE, v18;
	[tilespmem:s11+$0x0] =	vst v11;
	v14 =	vadd.s32 v2, v15  }
0x1a8: {  	v18 =	vbroadcast v18, $0x0;
	v11 =	vld.idx.msk [tilespmem:v12+s30+$0x0], $0xffff;
	v12 =	vadd.s32 v0, v9;
	_ =	sdelay $0x1  }
0x1a9: {  	v16 =	vld.idx.msk [tilespmem:v16+s30+$0x0], $0xffff;
	[tilespmem:s11+$0xFFFFFF90] =	vst v13;
	v13 =	vadd.s32 v2, v10  }
0x1aa: {  	s14 =	simm.s32 $0x5;
	v20 =	vadd.s32 v1, v8  }
0x1ab: {  	v19 =	vmov s14;
	v14 =	vld.idx.msk [tilespmem:v14+s30+$0x0], $0xffff  }
0x1ac: {  	v17 =	vadd.s32 v3, v15;
	v21 =	vld.idx.msk [tilespmem:v12+s30+$0x0], $0xffff  }
0x1ad: {  	s12 =	simm.s32 $0x10080;
	[tilespmem:s11+$0x10] =	vst v11;
	v12 =	vld.idx.msk [tilespmem:v18+s2+$0x0], $0xffff  }
0x1ae: {  	v22 =	vadd.s32 v1, v9;
	[tilespmem:s12+$0x0] =	vst v16;
	v13 =	vld.idx.msk [tilespmem:v13+s30+$0x0], $0xffff  }
0x1af: {  	v16 =	vld.idx.msk [tilespmem:v20+s30+$0x0], $0xffff  }
0x1b0: {  	v11 =	vld.idx.msk [tilespmem:v19+s2+$0x0], $0xffff;
	[tilespmem:s11+$0xFFFFFFA0] =	vst v14;
	v14 =	vadd.s32 v3, v10  }
0x1b1: {  	v17 =	vld.idx.msk [tilespmem:v17+s30+$0x0], $0xffff  }
0x1b2: {  	v19 =	vadd.s32 v4, v15;
	[tilespmem:s12+$0xFFFFFF80] =	vst v21  }
0x1b3: {  	v18 =	vadd.s32 v2, v8;
	[tilespmem:s11+$0x20] =	vst v13;
	v13 =	vld.idx.msk [tilespmem:v22+s30+$0x0], $0xffff  }
0x1b4: {  	[tilespmem:s12+$0x10] =	vst v16;
	v16 =	vadd.s32 v0, v12  }
0x1b5: {  	v20 =	vadd.s32 v2, v9;
	v14 =	vld.idx.msk [tilespmem:v14+s30+$0x0], $0xffff  }
0x1b6: {  	[tilespmem:s11+$0xFFFFFFB0] =	vst v17;
	v17 =	vadd.s32 v0, v11  }
0x1b7: {  	v21 =	vadd.s32 v4, v10;
	v19 =	vld.idx.msk [tilespmem:v19+s30+$0x0], $0xffff  }
0x1b8: {  	s18 =	simm.s32 $0x7;
	v18 =	vld.idx.msk [tilespmem:v18+s30+$0x0], $0xffff;
	[tilespmem:s12+$0xFFFFFF90] =	vst v13;
	v13 =	vadd.s32 v5, v15  }
0x1b9: {  	s15 =	simm.s32 $0x6;
	v24 =	vmov s18;
	v16 =	vld.idx.msk [tilespmem:v16+s30+$0x0], $0xffff  }
0x1ba: {  	v23 =	vmov s15;
	[tilespmem:s11+$0x30] =	vst v14;
	v14 =	vld.idx.msk [tilespmem:v20+s30+$0x0], $0xffff;
	v20 =	vadd.s32 v3, v8  }
0x1bb: {  	v23 =	vand.u32 $0xFFFFFFFE, v23;
	v22 =	vadd.s32 v3, v9;
	v17 =	vld.idx.msk [tilespmem:v17+s30+$0x0], $0xffff  }
0x1bc: {  	v21 =	vld.idx.msk [tilespmem:v21+s30+$0x0], $0xffff;
	[tilespmem:s11+$0xFFFFFFC0] =	vst v19;
	v19 =	vbroadcast v23, $0x0;
	v23 =	vadd.s32 v1, v11  }
0x1bd: {  	[tilespmem:s12+$0x20] =	vst v18;
	v18 =	vld.idx.msk [tilespmem:v13+s30+$0x0], $0xffff  }
0x1be: {  	v25 =	vadd.s32 v1, v12;
	v13 =	vld.idx.msk [tilespmem:v24+s2+$0x0], $0xffff  }
0x1bf: {  	s14 =	simm.s32 $0x10180;
	v26 =	vadd.s32 v6, v15;
	v20 =	vld.idx.msk [tilespmem:v20+s30+$0x0], $0xffff;
	[tilespmem:s12+$0xFFFFFFA0] =	vst v14  }
0x1c0: {  	v24 =	vadd.s32 v4, v8;
	v22 =	vld.idx.msk [tilespmem:v22+s30+$0x0], $0xffff;
	[tilespmem:s14+$0x0] =	vst v17  }
0x1c1: {  	v17 =	vadd.s32 v4, v9;
	v23 =	vld.idx.msk [tilespmem:v23+s30+$0x0], $0xffff  }
0x1c2: {  	v27 =	vadd.s32 v5, v10;
	[tilespmem:s14+$0xFFFFFF80] =	vst v16;
	v14 =	vld.idx.msk [tilespmem:v19+s2+$0x0], $0xffff  }
0x1c3: {  	v25 =	vld.idx.msk [tilespmem:v25+s30+$0x0], $0xffff;
	v19 =	vadd.s32 v2, v11;
	[tilespmem:s11+$0xFFFFFFD0] =	vst v18  }
0x1c4: {  	v29 =	vadd.s32 v2, v12;
	v28 =	vld.idx.msk [tilespmem:v26+s30+$0x0], $0xffff;
	[tilespmem:s12+$0x30] =	vst v20  }
0x1c5: {  	v20 =	vadd.s32 v7, v15;
	[tilespmem:s12+$0xFFFFFFB0] =	vst v22;
	v16 =	vld.idx.msk [tilespmem:v24+s30+$0x0], $0xffff  }
0x1c6: {  	[tilespmem:s11+$0x40] =	vst v21;
	v26 =	vadd.s32 v0, v13;
	v18 =	vld.idx.msk [tilespmem:v17+s30+$0x0], $0xffff  }
0x1c7: {  	[tilespmem:s14+$0x10] =	vst v23;
	v23 =	vld.idx.msk [tilespmem:v27+s30+$0x0], $0xffff;
	v27 =	vadd.s32 v0, v14  }
0x1c8: {  	[tilespmem:s14+$0xFFFFFF90] =	vst v25;
	v22 =	vld.idx.msk [tilespmem:v19+s30+$0x0], $0xffff;
	v19 =	vadd.s32 v5, v9  }
0x1c9: {  	v25 =	vadd.s32 v3, v11;
	v24 =	vld.idx.msk [tilespmem:v29+s30+$0x0], $0xffff;
	[tilespmem:s11+$0xFFFFFFE0] =	vst v28  }
0x1ca: {  	s15 =	simm.s32 $0x8;
	s13 =	simm.s32 $0x10180;
	v21 =	vadd.s32 v6, v10;
	v15 =	vadd.s32 v3, v12;
	v17 =	vadd.s32 v3, v14;
	v20 =	vld.idx.msk [tilespmem:v20+s30+$0x0], $0xffff  }
.LBB2_11:
0x1cb: {  	v28 =	vmov s15;
	s18 =	sadd.s32 $0x1, s15;
	p0 =	slt.u32 s15, $0x18E;
	s15 =	sadd.s32 $0x2, s15;
	v26 =	vld.idx.msk [tilespmem:v26+s30+$0x0], $0xffff  }
0x1cc: {  	v28 =	vand.u32 $0xFFFFFFFE, v28;
	v29 =	vmov s18;
	v27 =	vld.idx.msk [tilespmem:v27+s30+$0x0], $0xffff;
	[tilespmem:s12+$0xFFFFFFC0] =	vst v18  }
0x1cd: {  	v18 =	vbroadcast v28, $0x0;
	v28 =	vadd.s32 v1, v13;
	[tilespmem:s14+$0x20] =	vst v22;
	v19 =	vld.idx.msk [tilespmem:v19+s30+$0x0], $0xffff  }
0x1ce: {  	v22 =	vld.idx.msk [tilespmem:v25+s30+$0x0], $0xffff;
	[tilespmem:s11+$0x50] =	vst v23  }
0x1cf: {  	v23 =	vadd.s32 v1, v14;
	[tilespmem:s14+$0xFFFFFFA0] =	vst v24;
	v21 =	vld.idx.msk [tilespmem:v21+s30+$0x0], $0xffff  }
0x1d0: {  	v25 =	vadd.s32 v6, v9;
	s14 =	sadd.s32 $0x100, s14;
	v24 =	vld.idx.msk [tilespmem:v15+s30+$0x0], $0xffff;
	[tilespmem:s11+$0xFFFFFFF0] =	vst v20;
	v15 =	vmov v17  }
0x1d1: {  	v17 =	vadd.s32 v7, v10;
	v10 =	vmovc v8;
	v8 =	vmov v11;
	v11 =	vmov v13;
	[tilespmem:s14+$0x0] =	vst v26;
	v13 =	vld.idx.msk [tilespmem:v29+s2+$0x0], $0xffff  }
0x1d2: {  	v26 =	vadd.s32 v4, v12;
	v20 =	vld.idx.msk [tilespmem:v28+s30+$0x0], $0xffff;
	[tilespmem:s12+$0x40] =	vst v16  }
0x1d3: {  	v16 =	vadd.s32 v4, v8;
	v28 =	vld.idx.msk [tilespmem:v18+s2+$0x0], $0xffff;
	[tilespmem:s14+$0xFFFFFF80] =	vst v27  }
0x1d4: {  	v29 =	vadd.s32 v2, v11;
	v23 =	vld.idx.msk [tilespmem:v23+s30+$0x0], $0xffff;
	[tilespmem:s12+$0xFFFFFFD0] =	vst v19  }
0x1d5: {  	v30 =	vld.idx.msk [tilespmem:v25+s30+$0x0], $0xffff;
	v25 =	vadd.s32 v5, v10;
	[tilespmem:s11+$0x60] =	vst v21  }
0x1d6: {  	v21 =	vadd.s32 v2, v14;
	[tilespmem:s13+$0xFFFFFFB0] =	vst v24;
	v31 =	vld.idx.msk [tilespmem:v17+s30+$0x0], $0xffff  }
0x1d7: {  	v32 =	vadd.s32 v7, v9;
	v9 =	vmov v12;
	v12 =	vmov v14;
	v18 =	vld.idx.msk [tilespmem:v26+s30+$0x0], $0xffff;
	[tilespmem:s13+$0x30] =	vst v22  }
.Ltmp5:
0x1d8: {  	v26 =	vadd.s32 v0, v13;
	[tilespmem:s14+$0x10] =	vst v20;
	v16 =	vld.idx.msk [tilespmem:v16+s30+$0x0], $0xffff;
	(pc) =	sbr.rel @p0 .LBB2_11-.Ltmp5, $4  }
0x1d9: {  	v27 =	vadd.s32 v0, v28;
	v17 =	vadd.s32 v3, v28;
	v14 =	vmov v28;
	v22 =	vld.idx.msk [tilespmem:v29+s30+$0x0], $0xffff  }
0x1da: {  	v19 =	vadd.s32 v5, v9;
	[tilespmem:s14+$0xFFFFFF90] =	vst v23;
	v23 =	vld.idx.msk [tilespmem:v25+s30+$0x0], $0xffff  }
0x1db: {  	v25 =	vadd.s32 v3, v11;
	v24 =	vld.idx.msk [tilespmem:v21+s30+$0x0], $0xffff;
	[tilespmem:s12+$0xFFFFFFE0] =	vst v30  }
0x1dc: {  	v21 =	vadd.s32 v6, v10;
	v20 =	vld.idx.msk [tilespmem:v32+s30+$0x0], $0xffff;
	[tilespmem:s11+$0x70] =	vst v31;
	s11 =	smov.u32 s12;
	s12 =	smov.u32 s13;
	s13 =	smov.u32 s14  }
0x1dd: {  	_ =	sdelay $0x3  }
0x1de: {  	v27 =	vld.idx.msk [tilespmem:v27+s30+$0x0], $0xffff  }
0x1df: {  	v26 =	vld.idx.msk [tilespmem:v26+s30+$0x0], $0xffff;
	v28 =	vadd.s32 v1, v14  }
0x1e0: {  	v29 =	vadd.s32 v1, v13;
	_ =	sdelay $0x1  }
0x1e1: {  	s15 =	sadd.s32 $0x100, s14  }
0x1e2: {  	[tilespmem:s15+$0xFFFFFF80] =	vst v27  }
0x1e3: {  	[tilespmem:s15+$0x0] =	vst v26;
	v62 =	vld.idx.msk [tilespmem:v28+s30+$0x0], $0xffff  }
0x1e4: {  	v32 =	vadd.s32 v2, v14;
	v63 =	vld.idx.msk [tilespmem:v29+s30+$0x0], $0xffff  }
0x1e5: {  	v33 =	vadd.s32 v2, v13;
	_ =	sdelay $0x2  }
0x1e6: {  	[tilespmem:s15+$0xFFFFFF90] =	vst v62  }
0x1e7: {  	[tilespmem:s15+$0x10] =	vst v63;
	v26 =	vld.idx.msk [tilespmem:v32+s30+$0x0], $0xffff  }
0x1e8: {  	[tilespmem:s12+$0xFFFFFFC0] =	vst v18;
	v34 =	vld.idx.msk [tilespmem:v33+s30+$0x0], $0xffff  }
0x1e9: {  	v35 =	vadd.s32 v3, v13;
	[tilespmem:s12+$0x40] =	vst v16  }
0x1ea: {  	[tilespmem:s14+$0xFFFFFFA0] =	vst v24  }
0x1eb: {  	[tilespmem:s14+$0x20] =	vst v22;
	v15 =	vld.idx.msk [tilespmem:v15+s30+$0x0], $0xffff  }
0x1ec: {  	v37 =	vadd.s32 v4, v12;
	v36 =	vld.idx.msk [tilespmem:v25+s30+$0x0], $0xffff;
	[tilespmem:s15+$0xFFFFFFA0] =	vst v26  }
0x1ed: {  	v38 =	vadd.s32 v4, v11;
	[tilespmem:s15+$0x20] =	vst v34;
	v17 =	vld.idx.msk [tilespmem:v17+s30+$0x0], $0xffff  }
0x1ee: {  	v40 =	vadd.s32 v4, v14;
	[tilespmem:s11+$0x50] =	vst v23;
	v39 =	vld.idx.msk [tilespmem:v35+s30+$0x0], $0xffff  }
0x1ef: {  	v41 =	vadd.s32 v4, v13;
	v19 =	vld.idx.msk [tilespmem:v19+s30+$0x0], $0xffff;
	[tilespmem:s11+$0xFFFFFFF0] =	vst v20  }
0x1f0: {  	v42 =	vadd.s32 v6, v9;
	v21 =	vld.idx.msk [tilespmem:v21+s30+$0x0], $0xffff;
	[tilespmem:s13+$0xFFFFFFB0] =	vst v15  }
0x1f1: {  	v43 =	vadd.s32 v5, v8;
	[tilespmem:s13+$0x30] =	vst v36;
	v23 =	vld.idx.msk [tilespmem:v37+s30+$0x0], $0xffff  }
0x1f2: {  	v44 =	vadd.s32 v5, v12;
	v18 =	vld.idx.msk [tilespmem:v38+s30+$0x0], $0xffff;
	[tilespmem:s15+$0xFFFFFFB0] =	vst v17  }
0x1f3: {  	v45 =	vadd.s32 v5, v11;
	[tilespmem:s15+$0x30] =	vst v39;
	v22 =	vld.idx.msk [tilespmem:v40+s30+$0x0], $0xffff  }
0x1f4: {  	v46 =	vadd.s32 v5, v14;
	[tilespmem:s12+$0xFFFFFFD0] =	vst v19;
	v16 =	vld.idx.msk [tilespmem:v41+s30+$0x0], $0xffff  }
0x1f5: {  	v48 =	vadd.s32 v5, v13;
	v47 =	vld.idx.msk [tilespmem:v42+s30+$0x0], $0xffff;
	[tilespmem:s11+$0x60] =	vst v21  }
0x1f6: {  	v10 =	vadd.s32 v7, v10;
	v15 =	vld.idx.msk [tilespmem:v43+s30+$0x0], $0xffff;
	[tilespmem:s13+$0xFFFFFFC0] =	vst v23  }
0x1f7: {  	v49 =	vadd.s32 v6, v8;
	[tilespmem:s13+$0x40] =	vst v18;
	v50 =	vld.idx.msk [tilespmem:v44+s30+$0x0], $0xffff  }
0x1f8: {  	v51 =	vadd.s32 v6, v12;
	v17 =	vld.idx.msk [tilespmem:v45+s30+$0x0], $0xffff;
	[tilespmem:s15+$0xFFFFFFC0] =	vst v22  }
0x1f9: {  	v52 =	vadd.s32 v6, v11;
	[tilespmem:s15+$0x40] =	vst v16;
	v19 =	vld.idx.msk [tilespmem:v46+s30+$0x0], $0xffff  }
0x1fa: {  	v53 =	vadd.s32 v6, v14;
	[tilespmem:s12+$0xFFFFFFE0] =	vst v47;
	v54 =	vld.idx.msk [tilespmem:v48+s30+$0x0], $0xffff  }
0x1fb: {  	v55 =	vadd.s32 v6, v13;
	v10 =	vld.idx.msk [tilespmem:v10+s30+$0x0], $0xffff;
	[tilespmem:s12+$0x50] =	vst v15  }
0x1fc: {  	v56 =	vadd.s32 v7, v9;
	v57 =	vld.idx.msk [tilespmem:v49+s30+$0x0], $0xffff;
	[tilespmem:s13+$0xFFFFFFD0] =	vst v50  }
0x1fd: {  	v8 =	vadd.s32 v7, v8;
	v18 =	vld.idx.msk [tilespmem:v51+s30+$0x0], $0xffff;
	[tilespmem:s13+$0x50] =	vst v17  }
0x1fe: {  	v58 =	vadd.s32 v7, v12;
	v17 =	vld.idx.msk [tilespmem:v52+s30+$0x0], $0xffff;
	[tilespmem:s15+$0xFFFFFFD0] =	vst v19  }
0x1ff: {  	v59 =	vadd.s32 v7, v11;
	[tilespmem:s15+$0x50] =	vst v54;
	v16 =	vld.idx.msk [tilespmem:v53+s30+$0x0], $0xffff  }
0x200: {  	v60 =	vadd.s32 v7, v14;
	[tilespmem:s11+$0x70] =	vst v10;
	v61 =	vld.idx.msk [tilespmem:v55+s30+$0x0], $0xffff  }
0x201: {  	v62 =	vadd.s32 v7, v13;
	v9 =	vld.idx.msk [tilespmem:v56+s30+$0x0], $0xffff;
	[tilespmem:s12+$0x60] =	vst v57  }
0x202: {  	v8 =	vld.idx.msk [tilespmem:v8+s30+$0x0], $0xffff;
	[tilespmem:s13+$0xFFFFFFE0] =	vst v18  }
0x203: {  	v12 =	vld.idx.msk [tilespmem:v58+s30+$0x0], $0xffff;
	[tilespmem:s13+$0x60] =	vst v17  }
0x204: {  	v11 =	vld.idx.msk [tilespmem:v59+s30+$0x0], $0xffff;
	[tilespmem:s15+$0xFFFFFFE0] =	vst v16  }
0x205: {  	[tilespmem:s15+$0x60] =	vst v61;
	v10 =	vld.idx.msk [tilespmem:v60+s30+$0x0], $0xffff  }
0x206: {  	s28 =	sadd.s32 $0x1, s28;
	[tilespmem:s12+$0xFFFFFFF0] =	vst v9;
	v63 =	vld.idx.msk [tilespmem:v62+s30+$0x0], $0xffff  }
0x207: {  	p0 =	sne.s32 s28, $0xC;
	[tilespmem:s12+$0x70] =	vst v8  }
.Ltmp6:
0x208: {  	s29 =	sadd.s32 s29, s9;
	[tilespmem:s13+$0xFFFFFFF0] =	vst v12;
	(pc) =	sbr.rel @p0 .LBB2_4-.Ltmp6, $4  }
0x209: {  	s11 =	sshll.u32 s29, $0x4;
	[tilespmem:s13+$0x70] =	vst v11  }
0x20a: {  	s11 =	sand.u32 $0x1FFFFF00, s11;
	[tilespmem:s15+$0xFFFFFFF0] =	vst v10  }
0x20b: {  	s11 =	sadd.s32 s5, s11;
	[tilespmem:s15+$0x70] =	vst v63  }
0x20c: {  	[hbm4b:s11+s6] =	stream.linear.scatter [tilespmem:s4], [sflag:$0x4], $0xC800, $0x38;
	[tilespmem:$0x1C700] =	vst v63  }
0x20d: {  	_ =	swait.ge [sflag:s31], $0x190  }
0x20e: {  	[sflag:s31] =	ssyncset.done $0x0  }
0x20f: {  	[sflag:s31] =	ssyncadd.s32 $0xFFFFFE70  }
0x210: {  	_ =	swait.ge [sflag:s31], $0x190  }
0x211: {  	[sflag:s31] =	ssyncset.done $0x0  }
0x212: {  	[sflag:s31] =	ssyncadd.s32 $0xFFFFFE70  }
0x213: {  	_ =	swait.ge [sflag:s31], $0x190  }
0x214: {  	[sflag:s31] =	ssyncset.done $0x0  }
0x215: {  	s11 =	simm.s32 $0x0;
	[sflag:s31] =	ssyncadd.s32 $0xFFFFFE70  }
0x216: {  	v10 =	vld [tilespmem:s11+$0x2700]  }
0x217: {  	v9 =	vld [tilespmem:s11+$0x2B00];
	_ =	sdelay $0x1  }
0x218: {  	v8 =	vld [tilespmem:s11+$0x2F00]  }
0x219: {  	s12 =	simm.s32 $0x40  }
.LBB2_14:
0x21a: {  	s13 =	sshra.s32 s12, $0x2;
	p0 =	sne.s32 s12, $0x600;
	s12 =	sadd.s32 $0x40, s12;
	v11 =	vmul.u32 $0xC, v10  }
.Ltmp7:
0x21b: {  	v10 =	vld [tilespmem:s13+$0x2700];
	v12 =	vshll.u32 v9, $0x1;
	(pc) =	sbr.rel @p0 .LBB2_14-.Ltmp7, $4  }
0x21c: {  	v9 =	vld [tilespmem:s13+$0x2B00];
	v11 =	vadd.s32 v11, v12  }
0x21d: {  	v11 =	vadd.s32 v8, v11  }
0x21e: {  	v8 =	vld [tilespmem:s13+$0x2F00];
	v11 =	vshll.u32 v11, $0x7  }
0x21f: {  	[tilespmem:s11+$0x3300] =	vst v11;
	s11 =	smov.u32 s13  }
0x220: {  	v10 =	vmul.u32 $0xC, v10;
	s12 =	simm.s32 $0x0  }
0x221: {  	v9 =	vshll.u32 v9, $0x1;
	v11 =	vmov s12  }
0x222: {  	v9 =	vadd.s32 v10, v9;
	v10 =	vand.u32 $0xFFFFFFFE, v11  }
0x223: {  	v8 =	vadd.s32 v8, v9;
	v9 =	vbroadcast v10, $0x0  }
0x224: {  	v8 =	vshll.u32 v8, $0x7  }
0x225: {  	[tilespmem:s11+$0x3300] =	vst v8  }
0x226: {  	s13 =	simm.s32 $0x1;
	_ =	swait.ge [sflag:s23], $0xC800  }
0x227: {  	v8 =	vmov s13;
	[sflag:s23] =	ssyncset.done $0x0  }
0x228: {  	[sflag:s23] =	ssyncadd.s32 $0xFFFF3800  }
0x229: {  	v15 =	vld.idx.msk [tilespmem:v9+s3+$0x0], $0xffff;
	_ =	sdelay $0x2  }
0x22a: {  	v10 =	vld.idx.msk [tilespmem:v8+s3+$0x0], $0xffff;
	_ =	sdelay $0x1  }
0x22b: {  	s14 =	simm.s32 $0x2;
	s15 =	simm.s32 $0x3;
	v8 =	vadd.s32 v0, v15  }
0x22c: {  	v12 =	vmov s15;
	v9 =	vmov s14  }
0x22d: {  	v9 =	vand.u32 $0xFFFFFFFE, v9  }
0x22e: {  	v9 =	vbroadcast v9, $0x0;
	v11 =	vadd.s32 v0, v10;
	_ =	sdelay $0x1  }
0x22f: {  	v13 =	vld.idx.msk [tilespmem:v8+s30+$0x0], $0xffff  }
0x230: {  	v14 =	vadd.s32 v1, v15;
	v8 =	vld.idx.msk [tilespmem:v12+s3+$0x0], $0xffff;
	_ =	sdelay $0x1  }
0x231: {  	v11 =	vld.idx.msk [tilespmem:v11+s30+$0x0], $0xffff  }
0x232: {  	s11 =	simm.s32 $0x3780;
	v9 =	vld.idx.msk [tilespmem:v9+s3+$0x0], $0xffff;
	v12 =	vadd.s32 v1, v10  }
0x233: {  	[tilespmem:s11+$0xFFFFFF80] =	vst v13  }
0x234: {  	s18 =	simm.s32 $0x4;
	v16 =	vadd.s32 v0, v8;
	v13 =	vld.idx.msk [tilespmem:v14+s30+$0x0], $0xffff  }
0x235: {  	v18 =	vmov s18  }
0x236: {  	v18 =	vand.u32 $0xFFFFFFFE, v18;
	v14 =	vadd.s32 v2, v15;
	[tilespmem:s11+$0x0] =	vst v11  }
0x237: {  	v18 =	vbroadcast v18, $0x0;
	v11 =	vld.idx.msk [tilespmem:v12+s30+$0x0], $0xffff;
	v12 =	vadd.s32 v0, v9;
	_ =	sdelay $0x1  }
0x238: {  	v16 =	vld.idx.msk [tilespmem:v16+s30+$0x0], $0xffff;
	[tilespmem:s11+$0xFFFFFF90] =	vst v13;
	v13 =	vadd.s32 v2, v10  }
0x239: {  	s28 =	simm.s32 $0x5;
	v20 =	vadd.s32 v1, v8  }
0x23a: {  	v19 =	vmov s28;
	v14 =	vld.idx.msk [tilespmem:v14+s30+$0x0], $0xffff  }
0x23b: {  	v17 =	vadd.s32 v3, v15;
	v21 =	vld.idx.msk [tilespmem:v12+s30+$0x0], $0xffff  }
0x23c: {  	s12 =	simm.s32 $0x3880;
	[tilespmem:s11+$0x10] =	vst v11;
	v12 =	vld.idx.msk [tilespmem:v18+s3+$0x0], $0xffff  }
0x23d: {  	v22 =	vadd.s32 v1, v9;
	[tilespmem:s12+$0x0] =	vst v16;
	v13 =	vld.idx.msk [tilespmem:v13+s30+$0x0], $0xffff  }
0x23e: {  	v16 =	vld.idx.msk [tilespmem:v20+s30+$0x0], $0xffff  }
0x23f: {  	v11 =	vld.idx.msk [tilespmem:v19+s3+$0x0], $0xffff;
	[tilespmem:s11+$0xFFFFFFA0] =	vst v14;
	v14 =	vadd.s32 v3, v10  }
0x240: {  	v17 =	vld.idx.msk [tilespmem:v17+s30+$0x0], $0xffff  }
0x241: {  	v19 =	vadd.s32 v4, v15;
	[tilespmem:s12+$0xFFFFFF80] =	vst v21  }
0x242: {  	v18 =	vadd.s32 v2, v8;
	[tilespmem:s11+$0x20] =	vst v13;
	v13 =	vld.idx.msk [tilespmem:v22+s30+$0x0], $0xffff  }
0x243: {  	[tilespmem:s12+$0x10] =	vst v16;
	v16 =	vadd.s32 v0, v12  }
0x244: {  	v20 =	vadd.s32 v2, v9;
	v14 =	vld.idx.msk [tilespmem:v14+s30+$0x0], $0xffff  }
0x245: {  	[tilespmem:s11+$0xFFFFFFB0] =	vst v17;
	v17 =	vadd.s32 v0, v11  }
0x246: {  	v21 =	vadd.s32 v4, v10;
	v19 =	vld.idx.msk [tilespmem:v19+s30+$0x0], $0xffff  }
0x247: {  	s29 =	simm.s32 $0x7;
	v18 =	vld.idx.msk [tilespmem:v18+s30+$0x0], $0xffff;
	[tilespmem:s12+$0xFFFFFF90] =	vst v13;
	v13 =	vadd.s32 v5, v15  }
0x248: {  	v24 =	vmov s29;
	s13 =	simm.s32 $0x6;
	v16 =	vld.idx.msk [tilespmem:v16+s30+$0x0], $0xffff  }
0x249: {  	v23 =	vmov s13;
	[tilespmem:s11+$0x30] =	vst v14;
	v14 =	vld.idx.msk [tilespmem:v20+s30+$0x0], $0xffff;
	v20 =	vadd.s32 v3, v8  }
0x24a: {  	v23 =	vand.u32 $0xFFFFFFFE, v23;
	v22 =	vadd.s32 v3, v9;
	v17 =	vld.idx.msk [tilespmem:v17+s30+$0x0], $0xffff  }
0x24b: {  	v21 =	vld.idx.msk [tilespmem:v21+s30+$0x0], $0xffff;
	[tilespmem:s11+$0xFFFFFFC0] =	vst v19;
	v19 =	vbroadcast v23, $0x0;
	v23 =	vadd.s32 v1, v11  }
0x24c: {  	[tilespmem:s12+$0x20] =	vst v18;
	v18 =	vld.idx.msk [tilespmem:v13+s30+$0x0], $0xffff  }
0x24d: {  	v25 =	vadd.s32 v1, v12;
	v13 =	vld.idx.msk [tilespmem:v24+s3+$0x0], $0xffff  }
0x24e: {  	s14 =	simm.s32 $0x3980;
	v26 =	vadd.s32 v6, v15;
	v20 =	vld.idx.msk [tilespmem:v20+s30+$0x0], $0xffff;
	[tilespmem:s12+$0xFFFFFFA0] =	vst v14  }
0x24f: {  	v24 =	vadd.s32 v4, v8;
	v22 =	vld.idx.msk [tilespmem:v22+s30+$0x0], $0xffff;
	[tilespmem:s14+$0x0] =	vst v17  }
0x250: {  	v17 =	vadd.s32 v4, v9;
	v23 =	vld.idx.msk [tilespmem:v23+s30+$0x0], $0xffff  }
0x251: {  	v27 =	vadd.s32 v5, v10;
	[tilespmem:s14+$0xFFFFFF80] =	vst v16;
	v14 =	vld.idx.msk [tilespmem:v19+s3+$0x0], $0xffff  }
0x252: {  	v25 =	vld.idx.msk [tilespmem:v25+s30+$0x0], $0xffff;
	v19 =	vadd.s32 v2, v11;
	[tilespmem:s11+$0xFFFFFFD0] =	vst v18  }
0x253: {  	v29 =	vadd.s32 v2, v12;
	v28 =	vld.idx.msk [tilespmem:v26+s30+$0x0], $0xffff;
	[tilespmem:s12+$0x30] =	vst v20  }
0x254: {  	v20 =	vadd.s32 v7, v15;
	[tilespmem:s12+$0xFFFFFFB0] =	vst v22;
	v16 =	vld.idx.msk [tilespmem:v24+s30+$0x0], $0xffff  }
0x255: {  	[tilespmem:s11+$0x40] =	vst v21;
	v26 =	vadd.s32 v0, v13;
	v18 =	vld.idx.msk [tilespmem:v17+s30+$0x0], $0xffff  }
0x256: {  	[tilespmem:s14+$0x10] =	vst v23;
	v23 =	vld.idx.msk [tilespmem:v27+s30+$0x0], $0xffff;
	v27 =	vadd.s32 v0, v14  }
0x257: {  	[tilespmem:s14+$0xFFFFFF90] =	vst v25;
	v22 =	vld.idx.msk [tilespmem:v19+s30+$0x0], $0xffff;
	v19 =	vadd.s32 v5, v9  }
0x258: {  	v25 =	vadd.s32 v3, v11;
	v24 =	vld.idx.msk [tilespmem:v29+s30+$0x0], $0xffff;
	[tilespmem:s11+$0xFFFFFFE0] =	vst v28  }
0x259: {  	s15 =	simm.s32 $0x8;
	s13 =	simm.s32 $0x3980;
	v21 =	vadd.s32 v6, v10;
	v15 =	vadd.s32 v3, v12;
	v17 =	vadd.s32 v3, v14;
	v20 =	vld.idx.msk [tilespmem:v20+s30+$0x0], $0xffff  }
.LBB2_16:
0x25a: {  	v28 =	vmov s15;
	s18 =	sadd.s32 $0x1, s15;
	p0 =	slt.u32 s15, $0x18E;
	s15 =	sadd.s32 $0x2, s15;
	v26 =	vld.idx.msk [tilespmem:v26+s30+$0x0], $0xffff  }
0x25b: {  	v28 =	vand.u32 $0xFFFFFFFE, v28;
	v29 =	vmov s18;
	v27 =	vld.idx.msk [tilespmem:v27+s30+$0x0], $0xffff;
	[tilespmem:s12+$0xFFFFFFC0] =	vst v18  }
0x25c: {  	v18 =	vbroadcast v28, $0x0;
	v28 =	vadd.s32 v1, v13;
	[tilespmem:s14+$0x20] =	vst v22;
	v19 =	vld.idx.msk [tilespmem:v19+s30+$0x0], $0xffff  }
0x25d: {  	v22 =	vld.idx.msk [tilespmem:v25+s30+$0x0], $0xffff;
	[tilespmem:s11+$0x50] =	vst v23  }
0x25e: {  	v23 =	vadd.s32 v1, v14;
	[tilespmem:s14+$0xFFFFFFA0] =	vst v24;
	v21 =	vld.idx.msk [tilespmem:v21+s30+$0x0], $0xffff  }
0x25f: {  	v25 =	vadd.s32 v6, v9;
	s14 =	sadd.s32 $0x100, s14;
	v24 =	vld.idx.msk [tilespmem:v15+s30+$0x0], $0xffff;
	[tilespmem:s11+$0xFFFFFFF0] =	vst v20;
	v15 =	vmov v17  }
0x260: {  	v17 =	vadd.s32 v7, v10;
	v10 =	vmovc v8;
	v8 =	vmov v11;
	v11 =	vmov v13;
	[tilespmem:s14+$0x0] =	vst v26;
	v13 =	vld.idx.msk [tilespmem:v29+s3+$0x0], $0xffff  }
0x261: {  	v26 =	vadd.s32 v4, v12;
	v20 =	vld.idx.msk [tilespmem:v28+s30+$0x0], $0xffff;
	[tilespmem:s12+$0x40] =	vst v16  }
0x262: {  	v16 =	vadd.s32 v4, v8;
	v28 =	vld.idx.msk [tilespmem:v18+s3+$0x0], $0xffff;
	[tilespmem:s14+$0xFFFFFF80] =	vst v27  }
0x263: {  	v29 =	vadd.s32 v2, v11;
	v23 =	vld.idx.msk [tilespmem:v23+s30+$0x0], $0xffff;
	[tilespmem:s12+$0xFFFFFFD0] =	vst v19  }
0x264: {  	v30 =	vld.idx.msk [tilespmem:v25+s30+$0x0], $0xffff;
	v25 =	vadd.s32 v5, v10;
	[tilespmem:s11+$0x60] =	vst v21  }
0x265: {  	v21 =	vadd.s32 v2, v14;
	[tilespmem:s13+$0xFFFFFFB0] =	vst v24;
	v31 =	vld.idx.msk [tilespmem:v17+s30+$0x0], $0xffff  }
0x266: {  	v32 =	vadd.s32 v7, v9;
	v9 =	vmov v12;
	v12 =	vmov v14;
	v18 =	vld.idx.msk [tilespmem:v26+s30+$0x0], $0xffff;
	[tilespmem:s13+$0x30] =	vst v22  }
.Ltmp8:
0x267: {  	v26 =	vadd.s32 v0, v13;
	[tilespmem:s14+$0x10] =	vst v20;
	v16 =	vld.idx.msk [tilespmem:v16+s30+$0x0], $0xffff;
	(pc) =	sbr.rel @p0 .LBB2_16-.Ltmp8, $4  }
0x268: {  	v27 =	vadd.s32 v0, v28;
	v17 =	vadd.s32 v3, v28;
	v14 =	vmov v28;
	v22 =	vld.idx.msk [tilespmem:v29+s30+$0x0], $0xffff  }
0x269: {  	v19 =	vadd.s32 v5, v9;
	[tilespmem:s14+$0xFFFFFF90] =	vst v23;
	v23 =	vld.idx.msk [tilespmem:v25+s30+$0x0], $0xffff  }
0x26a: {  	v25 =	vadd.s32 v3, v11;
	v24 =	vld.idx.msk [tilespmem:v21+s30+$0x0], $0xffff;
	[tilespmem:s12+$0xFFFFFFE0] =	vst v30  }
0x26b: {  	v21 =	vadd.s32 v6, v10;
	v20 =	vld.idx.msk [tilespmem:v32+s30+$0x0], $0xffff;
	[tilespmem:s11+$0x70] =	vst v31;
	s11 =	smov.u32 s12;
	s12 =	smov.u32 s13;
	s13 =	smov.u32 s14  }
0x26c: {  	_ =	sdelay $0x3  }
0x26d: {  	v27 =	vld.idx.msk [tilespmem:v27+s30+$0x0], $0xffff  }
0x26e: {  	v26 =	vld.idx.msk [tilespmem:v26+s30+$0x0], $0xffff;
	v28 =	vadd.s32 v1, v14  }
0x26f: {  	v29 =	vadd.s32 v1, v13;
	_ =	sdelay $0x1  }
0x270: {  	s15 =	sadd.s32 $0x100, s14  }
0x271: {  	[tilespmem:s15+$0xFFFFFF80] =	vst v27  }
0x272: {  	[tilespmem:s15+$0x0] =	vst v26;
	v62 =	vld.idx.msk [tilespmem:v28+s30+$0x0], $0xffff  }
0x273: {  	v32 =	vadd.s32 v2, v14;
	v63 =	vld.idx.msk [tilespmem:v29+s30+$0x0], $0xffff  }
0x274: {  	v33 =	vadd.s32 v2, v13;
	_ =	sdelay $0x2  }
0x275: {  	[tilespmem:s15+$0xFFFFFF90] =	vst v62  }
0x276: {  	[tilespmem:s15+$0x10] =	vst v63;
	v26 =	vld.idx.msk [tilespmem:v32+s30+$0x0], $0xffff  }
0x277: {  	[tilespmem:s12+$0xFFFFFFC0] =	vst v18;
	v34 =	vld.idx.msk [tilespmem:v33+s30+$0x0], $0xffff  }
0x278: {  	v35 =	vadd.s32 v3, v13;
	[tilespmem:s12+$0x40] =	vst v16  }
0x279: {  	[tilespmem:s14+$0xFFFFFFA0] =	vst v24  }
0x27a: {  	[tilespmem:s14+$0x20] =	vst v22;
	v15 =	vld.idx.msk [tilespmem:v15+s30+$0x0], $0xffff  }
0x27b: {  	v37 =	vadd.s32 v4, v12;
	v36 =	vld.idx.msk [tilespmem:v25+s30+$0x0], $0xffff;
	[tilespmem:s15+$0xFFFFFFA0] =	vst v26  }
0x27c: {  	v38 =	vadd.s32 v4, v11;
	[tilespmem:s15+$0x20] =	vst v34;
	v17 =	vld.idx.msk [tilespmem:v17+s30+$0x0], $0xffff  }
0x27d: {  	v40 =	vadd.s32 v4, v14;
	[tilespmem:s11+$0x50] =	vst v23;
	v39 =	vld.idx.msk [tilespmem:v35+s30+$0x0], $0xffff  }
0x27e: {  	v41 =	vadd.s32 v4, v13;
	v19 =	vld.idx.msk [tilespmem:v19+s30+$0x0], $0xffff;
	[tilespmem:s11+$0xFFFFFFF0] =	vst v20  }
0x27f: {  	v42 =	vadd.s32 v6, v9;
	v21 =	vld.idx.msk [tilespmem:v21+s30+$0x0], $0xffff;
	[tilespmem:s13+$0xFFFFFFB0] =	vst v15  }
0x280: {  	v43 =	vadd.s32 v5, v8;
	[tilespmem:s13+$0x30] =	vst v36;
	v23 =	vld.idx.msk [tilespmem:v37+s30+$0x0], $0xffff  }
0x281: {  	v44 =	vadd.s32 v5, v12;
	v18 =	vld.idx.msk [tilespmem:v38+s30+$0x0], $0xffff;
	[tilespmem:s15+$0xFFFFFFB0] =	vst v17  }
0x282: {  	v45 =	vadd.s32 v5, v11;
	[tilespmem:s15+$0x30] =	vst v39;
	v22 =	vld.idx.msk [tilespmem:v40+s30+$0x0], $0xffff  }
0x283: {  	v46 =	vadd.s32 v5, v14;
	[tilespmem:s12+$0xFFFFFFD0] =	vst v19;
	v16 =	vld.idx.msk [tilespmem:v41+s30+$0x0], $0xffff  }
0x284: {  	v48 =	vadd.s32 v5, v13;
	v47 =	vld.idx.msk [tilespmem:v42+s30+$0x0], $0xffff;
	[tilespmem:s11+$0x60] =	vst v21  }
0x285: {  	v10 =	vadd.s32 v7, v10;
	v15 =	vld.idx.msk [tilespmem:v43+s30+$0x0], $0xffff;
	[tilespmem:s13+$0xFFFFFFC0] =	vst v23  }
0x286: {  	v49 =	vadd.s32 v6, v8;
	[tilespmem:s13+$0x40] =	vst v18;
	v50 =	vld.idx.msk [tilespmem:v44+s30+$0x0], $0xffff  }
0x287: {  	v51 =	vadd.s32 v6, v12;
	v17 =	vld.idx.msk [tilespmem:v45+s30+$0x0], $0xffff;
	[tilespmem:s15+$0xFFFFFFC0] =	vst v22  }
0x288: {  	v52 =	vadd.s32 v6, v11;
	[tilespmem:s15+$0x40] =	vst v16;
	v19 =	vld.idx.msk [tilespmem:v46+s30+$0x0], $0xffff  }
0x289: {  	v53 =	vadd.s32 v6, v14;
	[tilespmem:s12+$0xFFFFFFE0] =	vst v47;
	v54 =	vld.idx.msk [tilespmem:v48+s30+$0x0], $0xffff  }
0x28a: {  	v55 =	vadd.s32 v6, v13;
	v10 =	vld.idx.msk [tilespmem:v10+s30+$0x0], $0xffff;
	[tilespmem:s12+$0x50] =	vst v15  }
0x28b: {  	v56 =	vadd.s32 v7, v9;
	v57 =	vld.idx.msk [tilespmem:v49+s30+$0x0], $0xffff;
	[tilespmem:s13+$0xFFFFFFD0] =	vst v50  }
0x28c: {  	v8 =	vadd.s32 v7, v8;
	v18 =	vld.idx.msk [tilespmem:v51+s30+$0x0], $0xffff;
	[tilespmem:s13+$0x50] =	vst v17  }
0x28d: {  	v58 =	vadd.s32 v7, v12;
	v17 =	vld.idx.msk [tilespmem:v52+s30+$0x0], $0xffff;
	[tilespmem:s15+$0xFFFFFFD0] =	vst v19  }
0x28e: {  	v59 =	vadd.s32 v7, v11;
	[tilespmem:s15+$0x50] =	vst v54;
	v16 =	vld.idx.msk [tilespmem:v53+s30+$0x0], $0xffff  }
0x28f: {  	v60 =	vadd.s32 v7, v14;
	[tilespmem:s11+$0x70] =	vst v10;
	v61 =	vld.idx.msk [tilespmem:v55+s30+$0x0], $0xffff  }
0x290: {  	v62 =	vadd.s32 v7, v13;
	v9 =	vld.idx.msk [tilespmem:v56+s30+$0x0], $0xffff;
	[tilespmem:s12+$0x60] =	vst v57  }
0x291: {  	v8 =	vld.idx.msk [tilespmem:v8+s30+$0x0], $0xffff;
	[tilespmem:s13+$0xFFFFFFE0] =	vst v18  }
0x292: {  	v12 =	vld.idx.msk [tilespmem:v58+s30+$0x0], $0xffff;
	[tilespmem:s13+$0x60] =	vst v17  }
0x293: {  	v11 =	vld.idx.msk [tilespmem:v59+s30+$0x0], $0xffff;
	[tilespmem:s15+$0xFFFFFFE0] =	vst v16  }
0x294: {  	[tilespmem:s15+$0x60] =	vst v61;
	v10 =	vld.idx.msk [tilespmem:v60+s30+$0x0], $0xffff  }
0x295: {  	[tilespmem:s12+$0xFFFFFFF0] =	vst v9;
	v63 =	vld.idx.msk [tilespmem:v62+s30+$0x0], $0xffff  }
0x296: {  	[tilespmem:s12+$0x70] =	vst v8  }
0x297: {  	[tilespmem:s13+$0xFFFFFFF0] =	vst v12  }
0x298: {  	[tilespmem:s13+$0x70] =	vst v11  }
0x299: {  	[tilespmem:s15+$0xFFFFFFF0] =	vst v10  }
0x29a: {  	[tilespmem:s15+$0x70] =	vst v63  }
0x29b: {  	s25 =	sadd.s32 $0x1, s25;
	s11 =	rddreg [dreg:$0xb]  }
0x29c: {  	[hbm4b:s11+s6] =	stream.linear.scatter [tilespmem:s0], [sflag:$0x3], $0xC800, $0x38;
	[tilespmem:$0x1C700] =	vst v63  }
0x29d: {  	p0 =	sne.s32 s25, s19;
	_ =	swait.ge [sflag:s23], $0xC800  }
.Ltmp9:
0x29e: {  	[sflag:s23] =	ssyncset.done $0x0;
	(pc) =	sbr.rel @p0 .LBB2_1-.Ltmp9, $4  }
0x29f: {  	[sflag:s23] =	ssyncadd.s32 $0xFFFF3800  }
0x2a0: {  	_ =	swait.ge [sflag:s24], $0xC800  }
0x2a1: {  	[sflag:s24] =	ssyncset.done $0x0  }
0x2a2: {  	[sflag:s24] =	ssyncadd.s32 $0xFFFF3800  }
0x2a3: {  	_ =	sfence.sel $0x180000  }
0x2a4: {  	[bflag:$0x0] =	sbarrier.arrive $0xFFFF  }
0x2a5: {  	_ =	strace $0x90000047  }
0x2a6: {  	s0 =	stileid.u32;
	[bflag:$0x2] =	sbarrier.arrive $0xFFFF  }
0x2a7: {  	p0 =	sne.s32 s0, $0x0;
	s0 =	rddreg [dreg:$0x5]  }
0x2a8: {  	s0 =	sadd.s32 @!p0 $0x100000, s0  }
0x2a9: {  	[sflag:s0] =	ssyncadd.tile.s32 @!p0 $0x1;
	_ =	shalt  }
.Lfunc_end2:
_tile_overlayer_lowered:
.L_overlay_start_2:
0x2aa: {  	(tag) =	ssettag $0x2  }
0x2ab: {  	s0 =	rddreg [dreg:$0x0];
	s2 =	stileid.u32  }
0x2ac: {  	s1 =	rddreg [dreg:$0x1];
	p0 =	sne.s32 s2, $0x0  }
0x2ad: {  	s3 =	rddreg [dreg:$0x2];
	[bflag:$0x3] =	sbarrier.arrive $0xFFFF;
	s2 =	simm.s32 @!p0 $0x1C05  }
0x2ae: {  	[timem:s3], [sflag:s2] =	dma.local @!p0 [hbm:s0], s1  }
0x2af: {  	s0 =	simm.s32 @!p0 $0x5  }
0x2b0: {  	_ =	swait.ge @!p0 [sflag:s0], s1  }
0x2b1: {  	s1 =	ssub.s32 @!p0 $0x0, s1;
	[sflag:s0] =	ssyncset.done @!p0 $0x0  }
0x2b2: {  	[sflag:s0] =	ssyncadd.s32 @!p0 s1  }
0x2b3: {  	[bflag:$0x3] =	sbarrier.arrive $0xFFFF  }
0x2b4: {  	_ =	shalt  }

</sc_bundles>
